<compile_context>
chip_gen: v7x
topology: tpu7x:2x2x1
jax: 0.10.2.dev20260603
libtpu: 0.0.44.dev20260713+nightly
codegen_flags: <defaults>
</compile_context>

<pallas_src>
import functools

import jax
import jax.numpy as jnp
from jax import lax
from jax.experimental import pallas as pl
from jax.experimental.pallas import tpu as pltpu
from jax.experimental.pallas import tpu_sc as plsc

N = 10000
E = 320000
D = 128

NC = 2
NS = 16
NW = NC * NS
CHUNK = 128
CHUNKS_PER_TILE = 80
E_PAD = NW * CHUNKS_PER_TILE * CHUNK
TOT_CHUNKS = E_PAD // CHUNK
K = CHUNKS_PER_TILE
SP = 40
N_ACC = 10240
ROWS_PER_TILE = N_ACC // NS
CNT_W = 128

@functools.lru_cache(maxsize=None)
def _sc_kernels():
    mesh = plsc.VectorSubcoreMesh(core_axis_name="c", subcore_axis_name="s",
                                  num_cores=NC, num_subcores=NS)

    @functools.partial(
        pl.kernel,
        out_type=jax.ShapeDtypeStruct((NC, N_ACC, CNT_W), jnp.float32),
        mesh=mesh,
        scratch_types=[
            pltpu.VMEM((CHUNKS_PER_TILE, CHUNK), jnp.int32),
            pltpu.VMEM((CHUNK, CNT_W), jnp.float32),
            pltpu.VMEM_SHARED((N_ACC, CNT_W), jnp.float32),
        ],
        name="sage_counts_sc",
    )
    def _counts(dstg, zcnt, ones_h, cnt_out, dst_v, ones_v, cnt_sh):
        c = lax.axis_index("c")
        s = lax.axis_index("s")
        base = (c * NS + s) * CHUNKS_PER_TILE
        pltpu.sync_copy(dstg.at[pl.ds(base, CHUNKS_PER_TILE)], dst_v)
        pltpu.sync_copy(ones_h, ones_v)
        row0 = s * ROWS_PER_TILE
        pltpu.sync_copy(zcnt, cnt_sh.at[pl.ds(row0, ROWS_PER_TILE)])
        plsc.subcore_barrier()

        def body(j, carry):
            pltpu.sync_copy(ones_v, cnt_sh.at[dst_v.at[j]], add=True)
            return carry

        lax.fori_loop(0, CHUNKS_PER_TILE, body, 0)
        plsc.subcore_barrier()
        pltpu.sync_copy(cnt_sh.at[pl.ds(row0, ROWS_PER_TILE)],
                        cnt_out.at[c, pl.ds(row0, ROWS_PER_TILE)])

    @functools.partial(
        pl.kernel,
        out_type=jax.ShapeDtypeStruct((NC, N_ACC, D), jnp.float32),
        mesh=mesh,
        scratch_types=[
            pltpu.VMEM((SP, CHUNK), jnp.int32),
            pltpu.VMEM((SP, CHUNK), jnp.int32),
            pltpu.VMEM((2 * CHUNK, D), jnp.float32),
            pltpu.VMEM_SHARED((N_ACC, D), jnp.float32),
            pltpu.SemaphoreType.DMA,
            pltpu.SemaphoreType.DMA,
        ],
        name="sage_agg_sc",
    )
    def _agg(h_hbm, srcg, dstg, sum_out,
             src_v, dst_v, gbuf, acc_sh, sem0, sem1):
        gbuf0 = gbuf.at[pl.ds(0, CHUNK)]
        gbuf1 = gbuf.at[pl.ds(CHUNK, CHUNK)]
        c = lax.axis_index("c")
        s = lax.axis_index("s")

        zero = jnp.zeros((16,), jnp.float32)

        def zrow(i, carry):
            for k in range(D // 16):
                gbuf[i, pl.ds(16 * k, 16)] = zero
            return carry

        lax.fori_loop(0, CHUNK, zrow, 0)
        row0 = s * ROWS_PER_TILE
        for i in range(ROWS_PER_TILE // CHUNK):
            pltpu.sync_copy(gbuf0, acc_sh.at[pl.ds(row0 + CHUNK * i, CHUNK)])
        plsc.subcore_barrier()

        base = (c * NS + s) * K
        npass = K // SP

        def ppass(p, carry):
            off = base + p * SP
            pltpu.sync_copy(srcg.at[pl.ds(off, SP)], src_v)
            pltpu.sync_copy(dstg.at[pl.ds(off, SP)], dst_v)
            pltpu.async_copy(h_hbm.at[src_v.at[0]], gbuf0, sem0)

            def body(t, carry2):
                j = 2 * t
                pltpu.async_copy(h_hbm.at[src_v.at[j + 1]], gbuf1, sem1)
                pltpu.make_async_copy(h_hbm.at[src_v.at[j]], gbuf0,
                                      sem0).wait()
                pltpu.sync_copy(gbuf0, acc_sh.at[dst_v.at[j]], add=True)

                @pl.when(t < SP // 2 - 1)
                def _():
                    pltpu.async_copy(h_hbm.at[src_v.at[j + 2]], gbuf0, sem0)

                pltpu.make_async_copy(h_hbm.at[src_v.at[j + 1]], gbuf1,
                                      sem1).wait()
                pltpu.sync_copy(gbuf1, acc_sh.at[dst_v.at[j + 1]], add=True)
                return carry2

            lax.fori_loop(0, SP // 2, body, 0)
            return carry

        lax.fori_loop(0, npass, ppass, 0)
        plsc.subcore_barrier()

        pltpu.sync_copy(acc_sh.at[pl.ds(row0, ROWS_PER_TILE)],
                        sum_out.at[c, pl.ds(row0, ROWS_PER_TILE)])

    return _counts, _agg


RB = 1000
NB = N // RB


def _mm_stats_body(sum_ref, cnt_ref, h_ref, wlt_ref, bl_ref, wrt_ref,
                   y_ref, stats_ref):
    i = pl.program_id(0)
    ssum = sum_ref[0] + sum_ref[1]
    cnt = cnt_ref[0, :, 0:1] + cnt_ref[1, :, 0:1]
    mean = ssum / jnp.maximum(cnt, 1.0)
    y = (jax.lax.dot(mean, wlt_ref[...],
                     precision=jax.lax.Precision.HIGHEST,
                     preferred_element_type=jnp.float32)
         + bl_ref[...][None, :]
         + jax.lax.dot(h_ref[...], wrt_ref[...],
                       precision=jax.lax.Precision.HIGHEST,
                       preferred_element_type=jnp.float32))
    y_ref[...] = y

    @pl.when(i == 0)
    def _():
        stats_ref[...] = jnp.zeros_like(stats_ref)

    stats_ref[0:1, :] += jnp.sum(y, axis=0, keepdims=True)
    stats_ref[1:2, :] += jnp.sum(y * y, axis=0, keepdims=True)


def _bn_body(relu, y_ref, stats_ref, g_ref, b_ref, out_ref):
    mu = stats_ref[0:1, :] * (1.0 / N)
    var = stats_ref[1:2, :] * (1.0 / N) - mu * mu
    y = y_ref[...]
    out = g_ref[...][None, :] * (y - mu) * jax.lax.rsqrt(var + 1e-5) \
        + b_ref[...][None, :]
    if relu:
        out = jnp.maximum(out, 0.0)
    out_ref[...] = out


def _dense(sum_p, cnt_p, h, wlt, bl, wrt, gamma, beta, relu, name):
    y, stats = pl.pallas_call(
        _mm_stats_body,
        grid=(NB,),
        in_specs=[
            pl.BlockSpec((NC, RB, D), lambda i: (0, i, 0)),
            pl.BlockSpec((NC, RB, CNT_W), lambda i: (0, i, 0)),
            pl.BlockSpec((RB, D), lambda i: (i, 0)),
            pl.BlockSpec((D, D), lambda i: (0, 0)),
            pl.BlockSpec((D,), lambda i: (0,)),
            pl.BlockSpec((D, D), lambda i: (0, 0)),
        ],
        out_specs=[
            pl.BlockSpec((RB, D), lambda i: (i, 0)),
            pl.BlockSpec((8, D), lambda i: (0, 0)),
        ],
        out_shape=[jax.ShapeDtypeStruct((N, D), jnp.float32),
                   jax.ShapeDtypeStruct((8, D), jnp.float32)],
        name=name + "_mm",
    )(sum_p, cnt_p, h, wlt, bl, wrt)
    return pl.pallas_call(
        functools.partial(_bn_body, relu),
        grid=(NB,),
        in_specs=[
            pl.BlockSpec((RB, D), lambda i: (i, 0)),
            pl.BlockSpec((8, D), lambda i: (0, 0)),
            pl.BlockSpec((D,), lambda i: (0,)),
            pl.BlockSpec((D,), lambda i: (0,)),
        ],
        out_specs=pl.BlockSpec((RB, D), lambda i: (i, 0)),
        out_shape=jax.ShapeDtypeStruct((N, D), jnp.float32),
        name=name + "_bn",
    )(y, stats, gamma, beta)


def kernel(x, edge_index, Wl0, bl0, Wr0, gamma0, beta0,
           Wl1, bl1, Wr1, gamma1, beta1):
    src = edge_index[0]
    dst = edge_index[1]
    pad = E_PAD - E
    ar = jnp.arange(pad, dtype=jnp.int32)
    srcg = jnp.concatenate(
        [src, (ar * 37) % N]).reshape(TOT_CHUNKS, CHUNK)
    dstg = jnp.concatenate(
        [dst, N + (ar % (N_ACC - N))]).reshape(TOT_CHUNKS, CHUNK)
    zcnt = jnp.zeros((ROWS_PER_TILE, CNT_W), jnp.float32)
    ones = jnp.ones((CHUNK, CNT_W), jnp.float32)

    counts_k, agg_k = _sc_kernels()
    cnt = counts_k(dstg, zcnt, ones)
    sum0 = agg_k(x, srcg, dstg)
    h1 = _dense(sum0, cnt, x, Wl0.T, bl0, Wr0.T, gamma0, beta0, True,
                "sage_dense0_tc")
    sum1 = agg_k(h1, srcg, dstg)
    out = _dense(sum1, cnt, h1, Wl1.T, bl1, Wr1.T, gamma1, beta1, False,
                 "sage_dense1_tc")
    return out

# --- scband reference (transcript-rebuilt; emitter-appended) ---
"""Pipeline reference for scband-gnnbackbone-11450382811837 (READ-ONLY COPY).

The authoritative reference and input builder live on the scoring server;
editing this copy changes nothing except your own understanding.
"""

import jax, jax.numpy as jnp
import numpy as np

N = 10000
E = 320000
D_IN = 128
D_H = 128


def setup_inputs(seed: int = 0) -> dict:
    key = jax.random.key(seed)
    ks = jax.random.split(key, 16)
    x = jax.random.normal(ks[0], (N, D_IN), dtype=jnp.float32)
    edge_index = jax.random.randint(ks[1], (2, E), 0, N, dtype=jnp.int32)
    s0 = 1.0 / np.sqrt(D_IN)
    s1 = 1.0 / np.sqrt(D_H)
    params = {
        'Wl0': jax.random.normal(ks[2], (D_H, D_IN), dtype=jnp.float32) * s0,
        'bl0': jnp.zeros((D_H,), dtype=jnp.float32),
        'Wr0': jax.random.normal(ks[3], (D_H, D_IN), dtype=jnp.float32) * s0,
        'gamma0': jnp.ones((D_H,), dtype=jnp.float32),
        'beta0': jnp.zeros((D_H,), dtype=jnp.float32),
        'Wl1': jax.random.normal(ks[4], (D_H, D_H), dtype=jnp.float32) * s1,
        'bl1': jnp.zeros((D_H,), dtype=jnp.float32),
        'Wr1': jax.random.normal(ks[5], (D_H, D_H), dtype=jnp.float32) * s1,
        'gamma1': jnp.ones((D_H,), dtype=jnp.float32),
        'beta1': jnp.zeros((D_H,), dtype=jnp.float32),
    }
    return {'x': x, 'edge_index': edge_index, **params}


def _sage_conv(h, src, dst, Wl, bl, Wr):
    # PyG SAGEConv (mean aggregation): lin_l(mean_{j in N(i)} x_j) + lin_r(x_i)
    msgs = jnp.take(h, src, axis=0)                       # gather  [E, D]
    summed = jax.ops.segment_sum(msgs, dst, num_segments=N)
    cnt = jax.ops.segment_sum(jnp.ones((src.shape[0], 1), jnp.float32), dst, num_segments=N)
    mean = summed / jnp.maximum(cnt, 1.0)
    return mean @ Wl.T + bl + h @ Wr.T


def _batch_norm(h, gamma, beta, eps=1e-5):
    mu = h.mean(axis=0)
    var = h.var(axis=0)
    return gamma * (h - mu) / jnp.sqrt(var + eps) + beta


def reference(x, edge_index, Wl0, bl0, Wr0, gamma0, beta0, Wl1, bl1, Wr1, gamma1, beta1):
    src = edge_index[0]
    dst = edge_index[1]
    # layer 0: SAGEConv -> BatchNorm -> ReLU (dropout p=0.0 is identity)
    h = _sage_conv(x, src, dst, Wl0, bl0, Wr0)
    h = _batch_norm(h, gamma0, beta0)
    h = jax.nn.relu(h)
    # layer 1 (last): SAGEConv -> BatchNorm
    h = _sage_conv(h, src, dst, Wl1, bl1, Wr1)
    h = _batch_norm(h, gamma1, beta1)
    return h

if __name__ == "__main__":
    import jax
    _d = setup_inputs()
    print(jax.jit(kernel)(*tuple(_d.values())))

</pallas_src>

<mosaic_0001>
#map = affine_map<(d0, d1) -> (0, 0)>
#map1 = affine_map<(d0, d1) -> (0, 0, 0)>
module attributes {stable_mosaic.version = 14 : i64} {
  func.func @sage_agg_sc(%arg0: i32, %arg1: i32, %arg2: memref<10000x128xf32, #tpu.memory_space<hbm>>, %arg3: memref<2560x128xi32, #tpu.memory_space<hbm>>, %arg4: memref<2560x128xi32, #tpu.memory_space<hbm>>, %arg5: memref<2x10240x128xf32, #tpu.memory_space<hbm>>, %arg6: memref<40x128xi32, #tpu.memory_space<vmem>>, %arg7: memref<40x128xi32, #tpu.memory_space<vmem>>, %arg8: memref<256x128xf32, #tpu.memory_space<vmem>>, %arg9: memref<10240x128xf32, #tpu.memory_space<vmem_shared>>, %arg10: memref<!tpu.dma_semaphore, #tpu.memory_space<semaphore_mem>>, %arg11: memref<!tpu.dma_semaphore, #tpu.memory_space<semaphore_mem>>) attributes {dimension_semantics = [#tpu.dimension_semantics<core_parallel>, #tpu.dimension_semantics<subcore_parallel>], iteration_bounds = array<i64: 2, 16>, scalar_prefetch = 0 : i64, scratch_operands = 6 : i64, tpu.core_type = #tpu.core_type<sc_vector_subcore>, window_params = [{transform_indices = #map}, {transform_indices = #map}, {transform_indices = #map}, {transform_indices = #map1}]} {
    %broadcast_in_dim3A = arith.constant 0.000000e+00 : f32
    %broadcast_in_dim3A_0 = vector.broadcast %broadcast_in_dim3A : f32 to vector<16xf32>
    %scan3A = arith.constant 0 : i32
    %scan3A_1 = arith.constant 0 : i32
    %scan3A_2 = arith.constant 128 : i32
    %scan3A_3 = arith.addi %scan3A_1, %scan3A_2 : i32
    %scan3A_4 = arith.constant 1 : i32
    scf.for %scan3A_28 = %scan3A_1 to %scan3A_3 step %scan3A_4  : i32 {
      %swap3A = arith.index_cast %scan3A_28 : i32 to index
      %swap3A_29 = arith.constant 0 : index
      %swap3A_30 = tpu.vector_load %arg8[%swap3A, %swap3A_29] {strides = array<i32>} : memref<256x128xf32, #tpu.memory_space<vmem>>, vector<1x16xf32>,
      %swap3A_31 = vector.shape_cast %swap3A_30 : vector<1x16xf32> to vector<16xf32>
      %swap3A_32 = vector.shape_cast %broadcast_in_dim3A_0 : vector<16xf32> to vector<1x16xf32>
      tpu.vector_store %arg8[%swap3A, %swap3A_29], %swap3A_32 {strides = array<i32>} : memref<256x128xf32, #tpu.memory_space<vmem>>, vector<1x16xf32>,
      %swap3A_33 = arith.index_cast %scan3A_28 : i32 to index
      %swap3A_34 = arith.constant 16 : index
      %swap3A_35 = tpu.vector_load %arg8[%swap3A_33, %swap3A_34] {strides = array<i32>} : memref<256x128xf32, #tpu.memory_space<vmem>>, vector<1x16xf32>,
      %swap3A_36 = vector.shape_cast %swap3A_35 : vector<1x16xf32> to vector<16xf32>
      %swap3A_37 = vector.shape_cast %broadcast_in_dim3A_0 : vector<16xf32> to vector<1x16xf32>
      tpu.vector_store %arg8[%swap3A_33, %swap3A_34], %swap3A_37 {strides = array<i32>} : memref<256x128xf32, #tpu.memory_space<vmem>>, vector<1x16xf32>,
      %swap3A_38 = arith.index_cast %scan3A_28 : i32 to index
      %swap3A_39 = arith.constant 32 : index
      %swap3A_40 = tpu.vector_load %arg8[%swap3A_38, %swap3A_39] {strides = array<i32>} : memref<256x128xf32, #tpu.memory_space<vmem>>, vector<1x16xf32>,
      %swap3A_41 = vector.shape_cast %swap3A_40 : vector<1x16xf32> to vector<16xf32>
      %swap3A_42 = vector.shape_cast %broadcast_in_dim3A_0 : vector<16xf32> to vector<1x16xf32>
      tpu.vector_store %arg8[%swap3A_38, %swap3A_39], %swap3A_42 {strides = array<i32>} : memref<256x128xf32, #tpu.memory_space<vmem>>, vector<1x16xf32>,
      %swap3A_43 = arith.index_cast %scan3A_28 : i32 to index
      %swap3A_44 = arith.constant 48 : index
      %swap3A_45 = tpu.vector_load %arg8[%swap3A_43, %swap3A_44] {strides = array<i32>} : memref<256x128xf32, #tpu.memory_space<vmem>>, vector<1x16xf32>,
      %swap3A_46 = vector.shape_cast %swap3A_45 : vector<1x16xf32> to vector<16xf32>
      %swap3A_47 = vector.shape_cast %broadcast_in_dim3A_0 : vector<16xf32> to vector<1x16xf32>
      tpu.vector_store %arg8[%swap3A_43, %swap3A_44], %swap3A_47 {strides = array<i32>} : memref<256x128xf32, #tpu.memory_space<vmem>>, vector<1x16xf32>,
      %swap3A_48 = arith.index_cast %scan3A_28 : i32 to index
      %swap3A_49 = arith.constant 64 : index
      %swap3A_50 = tpu.vector_load %arg8[%swap3A_48, %swap3A_49] {strides = array<i32>} : memref<256x128xf32, #tpu.memory_space<vmem>>, vector<1x16xf32>,
      %swap3A_51 = vector.shape_cast %swap3A_50 : vector<1x16xf32> to vector<16xf32>
      %swap3A_52 = vector.shape_cast %broadcast_in_dim3A_0 : vector<16xf32> to vector<1x16xf32>
      tpu.vector_store %arg8[%swap3A_48, %swap3A_49], %swap3A_52 {strides = array<i32>} : memref<256x128xf32, #tpu.memory_space<vmem>>, vector<1x16xf32>,
      %swap3A_53 = arith.index_cast %scan3A_28 : i32 to index
      %swap3A_54 = arith.constant 80 : index
      %swap3A_55 = tpu.vector_load %arg8[%swap3A_53, %swap3A_54] {strides = array<i32>} : memref<256x128xf32, #tpu.memory_space<vmem>>, vector<1x16xf32>,
      %swap3A_56 = vector.shape_cast %swap3A_55 : vector<1x16xf32> to vector<16xf32>
      %swap3A_57 = vector.shape_cast %broadcast_in_dim3A_0 : vector<16xf32> to vector<1x16xf32>
      tpu.vector_store %arg8[%swap3A_53, %swap3A_54], %swap3A_57 {strides = array<i32>} : memref<256x128xf32, #tpu.memory_space<vmem>>, vector<1x16xf32>,
      %swap3A_58 = arith.index_cast %scan3A_28 : i32 to index
      %swap3A_59 = arith.constant 96 : index
      %swap3A_60 = tpu.vector_load %arg8[%swap3A_58, %swap3A_59] {strides = array<i32>} : memref<256x128xf32, #tpu.memory_space<vmem>>, vector<1x16xf32>,
      %swap3A_61 = vector.shape_cast %swap3A_60 : vector<1x16xf32> to vector<16xf32>
      %swap3A_62 = vector.shape_cast %broadcast_in_dim3A_0 : vector<16xf32> to vector<1x16xf32>
      tpu.vector_store %arg8[%swap3A_58, %swap3A_59], %swap3A_62 {strides = array<i32>} : memref<256x128xf32, #tpu.memory_space<vmem>>, vector<1x16xf32>,
      %swap3A_63 = arith.index_cast %scan3A_28 : i32 to index
      %swap3A_64 = arith.constant 112 : index
      %swap3A_65 = tpu.vector_load %arg8[%swap3A_63, %swap3A_64] {strides = array<i32>} : memref<256x128xf32, #tpu.memory_space<vmem>>, vector<1x16xf32>,
      %swap3A_66 = vector.shape_cast %swap3A_65 : vector<1x16xf32> to vector<16xf32>
      %swap3A_67 = vector.shape_cast %broadcast_in_dim3A_0 : vector<16xf32> to vector<1x16xf32>
      tpu.vector_store %arg8[%swap3A_63, %swap3A_64], %swap3A_67 {strides = array<i32>} : memref<256x128xf32, #tpu.memory_space<vmem>>, vector<1x16xf32>,
    }
    %scan3A_5 = arith.constant 128 : i32
    %mul3A = arith.constant 640 : i32
    %mul3A_6 = arith.muli %arg1, %mul3A : i32
    %add3A = arith.constant 0 : i32
    %add3A_7 = arith.addi %mul3A_6, %add3A : i32
    "tpu.region"() ({
      %run_scoped3A = tpu.sem_alloc : memref<!tpu.dma_semaphore, #tpu.memory_space<semaphore_mem>>
      %dma_start3A = arith.constant 0 : i32
      %dma_start3A_28 = arith.constant 0 : i32
      %dma_start3A_29 = tpu.memref_slice %arg8[%dma_start3A, %dma_start3A_28] : memref<256x128xf32, #tpu.memory_space<vmem>> -> memref<128x128xf32, #tpu.memory_space<vmem>>
      %dma_start3A_30 = arith.constant 0 : i32
      %dma_start3A_31 = tpu.memref_slice %arg9[%add3A_7, %dma_start3A_30] : memref<10240x128xf32, #tpu.memory_space<vmem_shared>> -> memref<128x128xf32, #tpu.memory_space<vmem_shared>>
      %dma_start3A_32 = arith.constant 0 : i32
      %dma_start3A_33 = tpu.memref_slice %arg9[%add3A_7, %dma_start3A_32] : memref<10240x128xf32, #tpu.memory_space<vmem_shared>> -> memref<128x128xf32, #tpu.memory_space<vmem_shared>>
      %dma_start3A_34 = arith.constant 0 : i32
      %dma_start3A_35 = arith.constant 0 : i32
      %dma_start3A_36 = tpu.memref_slice %arg8[%dma_start3A_34, %dma_start3A_35] : memref<256x128xf32, #tpu.memory_space<vmem>> -> memref<128x128xf32, #tpu.memory_space<vmem>>
      tpu.enqueue_dma source(%dma_start3A_36 : memref<128x128xf32, #tpu.memory_space<vmem>>) target(%dma_start3A_33 : memref<128x128xf32, #tpu.memory_space<vmem_shared>>) target_semaphore(%run_scoped3A : memref<!tpu.dma_semaphore, #tpu.memory_space<semaphore_mem>>)
      %dma_wait3A = arith.constant 0 : i32
      %dma_wait3A_37 = arith.constant 0 : i32
      %dma_wait3A_38 = tpu.memref_slice %arg8[%dma_wait3A, %dma_wait3A_37] : memref<256x128xf32, #tpu.memory_space<vmem>> -> memref<128x128xf32, #tpu.memory_space<vmem>>
      %dma_wait3A_39 = arith.constant 0 : i32
      %dma_wait3A_40 = tpu.memref_slice %arg9[%add3A_7, %dma_wait3A_39] : memref<10240x128xf32, #tpu.memory_space<vmem_shared>> -> memref<128x128xf32, #tpu.memory_space<vmem_shared>>
      %dma_wait3A_41 = arith.constant 0 : i32
      %dma_wait3A_42 = tpu.memref_slice %arg9[%add3A_7, %dma_wait3A_41] : memref<10240x128xf32, #tpu.memory_space<vmem_shared>> -> memref<128x128xf32, #tpu.memory_space<vmem_shared>>
      %dma_wait3A_43 = arith.constant 0 : i32
      %dma_wait3A_44 = arith.constant 0 : i32
      %dma_wait3A_45 = tpu.memref_slice %arg8[%dma_wait3A_43, %dma_wait3A_44] : memref<256x128xf32, #tpu.memory_space<vmem>> -> memref<128x128xf32, #tpu.memory_space<vmem>>
      tpu.wait_dma2 semaphore(%run_scoped3A : memref<!tpu.dma_semaphore, #tpu.memory_space<semaphore_mem>>) src(%dma_wait3A_45 : memref<128x128xf32, #tpu.memory_space<vmem>>) dst(%dma_wait3A_42 : memref<128x128xf32, #tpu.memory_space<vmem_shared>>)
      tpu.yield
    }) : () -> ()
    %add3A_8 = arith.constant 128 : i32
    %add3A_9 = arith.addi %mul3A_6, %add3A_8 : i32
    "tpu.region"() ({
      %run_scoped3A = tpu.sem_alloc : memref<!tpu.dma_semaphore, #tpu.memory_space<semaphore_mem>>
      %dma_start3A = arith.constant 0 : i32
      %dma_start3A_28 = arith.constant 0 : i32
      %dma_start3A_29 = tpu.memref_slice %arg8[%dma_start3A, %dma_start3A_28] : memref<256x128xf32, #tpu.memory_space<vmem>> -> memref<128x128xf32, #tpu.memory_space<vmem>>
      %dma_start3A_30 = arith.constant 0 : i32
      %dma_start3A_31 = tpu.memref_slice %arg9[%add3A_9, %dma_start3A_30] : memref<10240x128xf32, #tpu.memory_space<vmem_shared>> -> memref<128x128xf32, #tpu.memory_space<vmem_shared>>
      %dma_start3A_32 = arith.constant 0 : i32
      %dma_start3A_33 = tpu.memref_slice %arg9[%add3A_9, %dma_start3A_32] : memref<10240x128xf32, #tpu.memory_space<vmem_shared>> -> memref<128x128xf32, #tpu.memory_space<vmem_shared>>
      %dma_start3A_34 = arith.constant 0 : i32
      %dma_start3A_35 = arith.constant 0 : i32
      %dma_start3A_36 = tpu.memref_slice %arg8[%dma_start3A_34, %dma_start3A_35] : memref<256x128xf32, #tpu.memory_space<vmem>> -> memref<128x128xf32, #tpu.memory_space<vmem>>
      tpu.enqueue_dma source(%dma_start3A_36 : memref<128x128xf32, #tpu.memory_space<vmem>>) target(%dma_start3A_33 : memref<128x128xf32, #tpu.memory_space<vmem_shared>>) target_semaphore(%run_scoped3A : memref<!tpu.dma_semaphore, #tpu.memory_space<semaphore_mem>>)
      %dma_wait3A = arith.constant 0 : i32
      %dma_wait3A_37 = arith.constant 0 : i32
      %dma_wait3A_38 = tpu.memref_slice %arg8[%dma_wait3A, %dma_wait3A_37] : memref<256x128xf32, #tpu.memory_space<vmem>> -> memref<128x128xf32, #tpu.memory_space<vmem>>
      %dma_wait3A_39 = arith.constant 0 : i32
      %dma_wait3A_40 = tpu.memref_slice %arg9[%add3A_9, %dma_wait3A_39] : memref<10240x128xf32, #tpu.memory_space<vmem_shared>> -> memref<128x128xf32, #tpu.memory_space<vmem_shared>>
      %dma_wait3A_41 = arith.constant 0 : i32
      %dma_wait3A_42 = tpu.memref_slice %arg9[%add3A_9, %dma_wait3A_41] : memref<10240x128xf32, #tpu.memory_space<vmem_shared>> -> memref<128x128xf32, #tpu.memory_space<vmem_shared>>
      %dma_wait3A_43 = arith.constant 0 : i32
      %dma_wait3A_44 = arith.constant 0 : i32
      %dma_wait3A_45 = tpu.memref_slice %arg8[%dma_wait3A_43, %dma_wait3A_44] : memref<256x128xf32, #tpu.memory_space<vmem>> -> memref<128x128xf32, #tpu.memory_space<vmem>>
      tpu.wait_dma2 semaphore(%run_scoped3A : memref<!tpu.dma_semaphore, #tpu.memory_space<semaphore_mem>>) src(%dma_wait3A_45 : memref<128x128xf32, #tpu.memory_space<vmem>>) dst(%dma_wait3A_42 : memref<128x128xf32, #tpu.memory_space<vmem_shared>>)
      tpu.yield
    }) : () -> ()
    %add3A_10 = arith.constant 256 : i32
    %add3A_11 = arith.addi %mul3A_6, %add3A_10 : i32
    "tpu.region"() ({
      %run_scoped3A = tpu.sem_alloc : memref<!tpu.dma_semaphore, #tpu.memory_space<semaphore_mem>>
      %dma_start3A = arith.constant 0 : i32
      %dma_start3A_28 = arith.constant 0 : i32
      %dma_start3A_29 = tpu.memref_slice %arg8[%dma_start3A, %dma_start3A_28] : memref<256x128xf32, #tpu.memory_space<vmem>> -> memref<128x128xf32, #tpu.memory_space<vmem>>
      %dma_start3A_30 = arith.constant 0 : i32
      %dma_start3A_31 = tpu.memref_slice %arg9[%add3A_11, %dma_start3A_30] : memref<10240x128xf32, #tpu.memory_space<vmem_shared>> -> memref<128x128xf32, #tpu.memory_space<vmem_shared>>
      %dma_start3A_32 = arith.constant 0 : i32
      %dma_start3A_33 = tpu.memref_slice %arg9[%add3A_11, %dma_start3A_32] : memref<10240x128xf32, #tpu.memory_space<vmem_shared>> -> memref<128x128xf32, #tpu.memory_space<vmem_shared>>
      %dma_start3A_34 = arith.constant 0 : i32
      %dma_start3A_35 = arith.constant 0 : i32
      %dma_start3A_36 = tpu.memref_slice %arg8[%dma_start3A_34, %dma_start3A_35] : memref<256x128xf32, #tpu.memory_space<vmem>> -> memref<128x128xf32, #tpu.memory_space<vmem>>
      tpu.enqueue_dma source(%dma_start3A_36 : memref<128x128xf32, #tpu.memory_space<vmem>>) target(%dma_start3A_33 : memref<128x128xf32, #tpu.memory_space<vmem_shared>>) target_semaphore(%run_scoped3A : memref<!tpu.dma_semaphore, #tpu.memory_space<semaphore_mem>>)
      %dma_wait3A = arith.constant 0 : i32
      %dma_wait3A_37 = arith.constant 0 : i32
      %dma_wait3A_38 = tpu.memref_slice %arg8[%dma_wait3A, %dma_wait3A_37] : memref<256x128xf32, #tpu.memory_space<vmem>> -> memref<128x128xf32, #tpu.memory_space<vmem>>
      %dma_wait3A_39 = arith.constant 0 : i32
      %dma_wait3A_40 = tpu.memref_slice %arg9[%add3A_11, %dma_wait3A_39] : memref<10240x128xf32, #tpu.memory_space<vmem_shared>> -> memref<128x128xf32, #tpu.memory_space<vmem_shared>>
      %dma_wait3A_41 = arith.constant 0 : i32
      %dma_wait3A_42 = tpu.memref_slice %arg9[%add3A_11, %dma_wait3A_41] : memref<10240x128xf32, #tpu.memory_space<vmem_shared>> -> memref<128x128xf32, #tpu.memory_space<vmem_shared>>
      %dma_wait3A_43 = arith.constant 0 : i32
      %dma_wait3A_44 = arith.constant 0 : i32
      %dma_wait3A_45 = tpu.memref_slice %arg8[%dma_wait3A_43, %dma_wait3A_44] : memref<256x128xf32, #tpu.memory_space<vmem>> -> memref<128x128xf32, #tpu.memory_space<vmem>>
      tpu.wait_dma2 semaphore(%run_scoped3A : memref<!tpu.dma_semaphore, #tpu.memory_space<semaphore_mem>>) src(%dma_wait3A_45 : memref<128x128xf32, #tpu.memory_space<vmem>>) dst(%dma_wait3A_42 : memref<128x128xf32, #tpu.memory_space<vmem_shared>>)
      tpu.yield
    }) : () -> ()
    %add3A_12 = arith.constant 384 : i32
    %add3A_13 = arith.addi %mul3A_6, %add3A_12 : i32
    "tpu.region"() ({
      %run_scoped3A = tpu.sem_alloc : memref<!tpu.dma_semaphore, #tpu.memory_space<semaphore_mem>>
      %dma_start3A = arith.constant 0 : i32
      %dma_start3A_28 = arith.constant 0 : i32
      %dma_start3A_29 = tpu.memref_slice %arg8[%dma_start3A, %dma_start3A_28] : memref<256x128xf32, #tpu.memory_space<vmem>> -> memref<128x128xf32, #tpu.memory_space<vmem>>
      %dma_start3A_30 = arith.constant 0 : i32
      %dma_start3A_31 = tpu.memref_slice %arg9[%add3A_13, %dma_start3A_30] : memref<10240x128xf32, #tpu.memory_space<vmem_shared>> -> memref<128x128xf32, #tpu.memory_space<vmem_shared>>
      %dma_start3A_32 = arith.constant 0 : i32
      %dma_start3A_33 = tpu.memref_slice %arg9[%add3A_13, %dma_start3A_32] : memref<10240x128xf32, #tpu.memory_space<vmem_shared>> -> memref<128x128xf32, #tpu.memory_space<vmem_shared>>
      %dma_start3A_34 = arith.constant 0 : i32
      %dma_start3A_35 = arith.constant 0 : i32
      %dma_start3A_36 = tpu.memref_slice %arg8[%dma_start3A_34, %dma_start3A_35] : memref<256x128xf32, #tpu.memory_space<vmem>> -> memref<128x128xf32, #tpu.memory_space<vmem>>
      tpu.enqueue_dma source(%dma_start3A_36 : memref<128x128xf32, #tpu.memory_space<vmem>>) target(%dma_start3A_33 : memref<128x128xf32, #tpu.memory_space<vmem_shared>>) target_semaphore(%run_scoped3A : memref<!tpu.dma_semaphore, #tpu.memory_space<semaphore_mem>>)
      %dma_wait3A = arith.constant 0 : i32
      %dma_wait3A_37 = arith.constant 0 : i32
      %dma_wait3A_38 = tpu.memref_slice %arg8[%dma_wait3A, %dma_wait3A_37] : memref<256x128xf32, #tpu.memory_space<vmem>> -> memref<128x128xf32, #tpu.memory_space<vmem>>
      %dma_wait3A_39 = arith.constant 0 : i32
      %dma_wait3A_40 = tpu.memref_slice %arg9[%add3A_13, %dma_wait3A_39] : memref<10240x128xf32, #tpu.memory_space<vmem_shared>> -> memref<128x128xf32, #tpu.memory_space<vmem_shared>>
      %dma_wait3A_41 = arith.constant 0 : i32
      %dma_wait3A_42 = tpu.memref_slice %arg9[%add3A_13, %dma_wait3A_41] : memref<10240x128xf32, #tpu.memory_space<vmem_shared>> -> memref<128x128xf32, #tpu.memory_space<vmem_shared>>
      %dma_wait3A_43 = arith.constant 0 : i32
      %dma_wait3A_44 = arith.constant 0 : i32
      %dma_wait3A_45 = tpu.memref_slice %arg8[%dma_wait3A_43, %dma_wait3A_44] : memref<256x128xf32, #tpu.memory_space<vmem>> -> memref<128x128xf32, #tpu.memory_space<vmem>>
      tpu.wait_dma2 semaphore(%run_scoped3A : memref<!tpu.dma_semaphore, #tpu.memory_space<semaphore_mem>>) src(%dma_wait3A_45 : memref<128x128xf32, #tpu.memory_space<vmem>>) dst(%dma_wait3A_42 : memref<128x128xf32, #tpu.memory_space<vmem_shared>>)
      tpu.yield
    }) : () -> ()
    %add3A_14 = arith.constant 512 : i32
    %add3A_15 = arith.addi %mul3A_6, %add3A_14 : i32
    "tpu.region"() ({
      %run_scoped3A = tpu.sem_alloc : memref<!tpu.dma_semaphore, #tpu.memory_space<semaphore_mem>>
      %dma_start3A = arith.constant 0 : i32
      %dma_start3A_28 = arith.constant 0 : i32
      %dma_start3A_29 = tpu.memref_slice %arg8[%dma_start3A, %dma_start3A_28] : memref<256x128xf32, #tpu.memory_space<vmem>> -> memref<128x128xf32, #tpu.memory_space<vmem>>
      %dma_start3A_30 = arith.constant 0 : i32
      %dma_start3A_31 = tpu.memref_slice %arg9[%add3A_15, %dma_start3A_30] : memref<10240x128xf32, #tpu.memory_space<vmem_shared>> -> memref<128x128xf32, #tpu.memory_space<vmem_shared>>
      %dma_start3A_32 = arith.constant 0 : i32
      %dma_start3A_33 = tpu.memref_slice %arg9[%add3A_15, %dma_start3A_32] : memref<10240x128xf32, #tpu.memory_space<vmem_shared>> -> memref<128x128xf32, #tpu.memory_space<vmem_shared>>
      %dma_start3A_34 = arith.constant 0 : i32
      %dma_start3A_35 = arith.constant 0 : i32
      %dma_start3A_36 = tpu.memref_slice %arg8[%dma_start3A_34, %dma_start3A_35] : memref<256x128xf32, #tpu.memory_space<vmem>> -> memref<128x128xf32, #tpu.memory_space<vmem>>
      tpu.enqueue_dma source(%dma_start3A_36 : memref<128x128xf32, #tpu.memory_space<vmem>>) target(%dma_start3A_33 : memref<128x128xf32, #tpu.memory_space<vmem_shared>>) target_semaphore(%run_scoped3A : memref<!tpu.dma_semaphore, #tpu.memory_space<semaphore_mem>>)
      %dma_wait3A = arith.constant 0 : i32
      %dma_wait3A_37 = arith.constant 0 : i32
      %dma_wait3A_38 = tpu.memref_slice %arg8[%dma_wait3A, %dma_wait3A_37] : memref<256x128xf32, #tpu.memory_space<vmem>> -> memref<128x128xf32, #tpu.memory_space<vmem>>
      %dma_wait3A_39 = arith.constant 0 : i32
      %dma_wait3A_40 = tpu.memref_slice %arg9[%add3A_15, %dma_wait3A_39] : memref<10240x128xf32, #tpu.memory_space<vmem_shared>> -> memref<128x128xf32, #tpu.memory_space<vmem_shared>>
      %dma_wait3A_41 = arith.constant 0 : i32
      %dma_wait3A_42 = tpu.memref_slice %arg9[%add3A_15, %dma_wait3A_41] : memref<10240x128xf32, #tpu.memory_space<vmem_shared>> -> memref<128x128xf32, #tpu.memory_space<vmem_shared>>
      %dma_wait3A_43 = arith.constant 0 : i32
      %dma_wait3A_44 = arith.constant 0 : i32
      %dma_wait3A_45 = tpu.memref_slice %arg8[%dma_wait3A_43, %dma_wait3A_44] : memref<256x128xf32, #tpu.memory_space<vmem>> -> memref<128x128xf32, #tpu.memory_space<vmem>>
      tpu.wait_dma2 semaphore(%run_scoped3A : memref<!tpu.dma_semaphore, #tpu.memory_space<semaphore_mem>>) src(%dma_wait3A_45 : memref<128x128xf32, #tpu.memory_space<vmem>>) dst(%dma_wait3A_42 : memref<128x128xf32, #tpu.memory_space<vmem_shared>>)
      tpu.yield
    }) : () -> ()
    %barrier3A = arith.constant 0 : index
    tpu.barrier barrier_id(%barrier3A)
    %mul3A_16 = arith.constant 16 : i32
    %mul3A_17 = arith.muli %arg0, %mul3A_16 : i32
    %add3A_18 = arith.addi %mul3A_17, %arg1 : i32
    %mul3A_19 = arith.constant 80 : i32
    %mul3A_20 = arith.muli %add3A_18, %mul3A_19 : i32
    %scan3A_21 = arith.constant 0 : i32
    %scan3A_22 = arith.constant 0 : i32
    %scan3A_23 = arith.constant 2 : i32
    %scan3A_24 = arith.addi %scan3A_22, %scan3A_23 : i32
    %scan3A_25 = arith.constant 1 : i32
    scf.for %scan3A_28 = %scan3A_22 to %scan3A_24 step %scan3A_25  : i32 {
      %mul3A_29 = arith.constant 40 : i32
      %mul3A_30 = arith.muli %scan3A_28, %mul3A_29 : i32
      %add3A_31 = arith.addi %mul3A_20, %mul3A_30 : i32
      "tpu.region"() ({
        %run_scoped3A = tpu.sem_alloc : memref<!tpu.dma_semaphore, #tpu.memory_space<semaphore_mem>>
        %dma_start3A_47 = arith.constant 0 : i32
        %dma_start3A_48 = tpu.memref_slice %arg3[%add3A_31, %dma_start3A_47] : memref<2560x128xi32, #tpu.memory_space<hbm>> -> memref<40x128xi32, #tpu.memory_space<hbm>>
        %dma_start3A_49 = arith.constant 0 : i32
        %dma_start3A_50 = tpu.memref_slice %arg3[%add3A_31, %dma_start3A_49] : memref<2560x128xi32, #tpu.memory_space<hbm>> -> memref<40x128xi32, #tpu.memory_space<hbm>>
        tpu.enqueue_dma source(%dma_start3A_50 : memref<40x128xi32, #tpu.memory_space<hbm>>) target(%arg6 : memref<40x128xi32, #tpu.memory_space<vmem>>) target_semaphore(%run_scoped3A : memref<!tpu.dma_semaphore, #tpu.memory_space<semaphore_mem>>)
        %dma_wait3A = arith.constant 0 : i32
        %dma_wait3A_51 = tpu.memref_slice %arg3[%add3A_31, %dma_wait3A] : memref<2560x128xi32, #tpu.memory_space<hbm>> -> memref<40x128xi32, #tpu.memory_space<hbm>>
        %dma_wait3A_52 = arith.constant 0 : i32
        %dma_wait3A_53 = tpu.memref_slice %arg3[%add3A_31, %dma_wait3A_52] : memref<2560x128xi32, #tpu.memory_space<hbm>> -> memref<40x128xi32, #tpu.memory_space<hbm>>
        tpu.wait_dma2 semaphore(%run_scoped3A : memref<!tpu.dma_semaphore, #tpu.memory_space<semaphore_mem>>) src(%dma_wait3A_53 : memref<40x128xi32, #tpu.memory_space<hbm>>) dst(%arg6 : memref<40x128xi32, #tpu.memory_space<vmem>>)
        tpu.yield
      }) : () -> ()
      "tpu.region"() ({
        %run_scoped3A = tpu.sem_alloc : memref<!tpu.dma_semaphore, #tpu.memory_space<semaphore_mem>>
        %dma_start3A_47 = arith.constant 0 : i32
        %dma_start3A_48 = tpu.memref_slice %arg4[%add3A_31, %dma_start3A_47] : memref<2560x128xi32, #tpu.memory_space<hbm>> -> memref<40x128xi32, #tpu.memory_space<hbm>>
        %dma_start3A_49 = arith.constant 0 : i32
        %dma_start3A_50 = tpu.memref_slice %arg4[%add3A_31, %dma_start3A_49] : memref<2560x128xi32, #tpu.memory_space<hbm>> -> memref<40x128xi32, #tpu.memory_space<hbm>>
        tpu.enqueue_dma source(%dma_start3A_50 : memref<40x128xi32, #tpu.memory_space<hbm>>) target(%arg7 : memref<40x128xi32, #tpu.memory_space<vmem>>) target_semaphore(%run_scoped3A : memref<!tpu.dma_semaphore, #tpu.memory_space<semaphore_mem>>)
        %dma_wait3A = arith.constant 0 : i32
        %dma_wait3A_51 = tpu.memref_slice %arg4[%add3A_31, %dma_wait3A] : memref<2560x128xi32, #tpu.memory_space<hbm>> -> memref<40x128xi32, #tpu.memory_space<hbm>>
        %dma_wait3A_52 = arith.constant 0 : i32
        %dma_wait3A_53 = tpu.memref_slice %arg4[%add3A_31, %dma_wait3A_52] : memref<2560x128xi32, #tpu.memory_space<hbm>> -> memref<40x128xi32, #tpu.memory_space<hbm>>
        tpu.wait_dma2 semaphore(%run_scoped3A : memref<!tpu.dma_semaphore, #tpu.memory_space<semaphore_mem>>) src(%dma_wait3A_53 : memref<40x128xi32, #tpu.memory_space<hbm>>) dst(%arg7 : memref<40x128xi32, #tpu.memory_space<vmem>>)
        tpu.yield
      }) : () -> ()
      %dma_start3A = arith.constant 0 : i32
      %dma_start3A_32 = arith.constant 0 : i32
      %dma_start3A_33 = arith.constant 0 : i32
      %dma_start3A_34 = tpu.memref_slice %arg8[%dma_start3A_32, %dma_start3A_33] : memref<256x128xf32, #tpu.memory_space<vmem>> -> memref<128x128xf32, #tpu.memory_space<vmem>>
      %dma_start3A_35 = arith.constant 0 : i32
      %dma_start3A_36 = tpu.memref_slice %arg6[%dma_start3A, %dma_start3A_35] : memref<40x128xi32, #tpu.memory_space<vmem>> -> memref<1x128xi32, #tpu.memory_space<vmem>>
      %dma_start3A_37 = tpu.memref_squeeze %dma_start3A_36 : memref<1x128xi32, #tpu.memory_space<vmem>> -> memref<128xi32, #tpu.memory_space<vmem>>
      %dma_start3A_38 = arith.constant 0 : i32
      %dma_start3A_39 = arith.constant 0 : i32
      %dma_start3A_40 = tpu.memref_slice %arg2[%dma_start3A_38, %dma_start3A_39] : memref<10000x128xf32, #tpu.memory_space<hbm>> -> memref<10000x128xf32, #tpu.memory_space<hbm>>
      tpu.enqueue_indirect_dma source(%dma_start3A_40 : memref<10000x128xf32, #tpu.memory_space<hbm>>) target(%dma_start3A_34 : memref<128x128xf32, #tpu.memory_space<vmem>>) offsets(%dma_start3A_37 : memref<128xi32, #tpu.memory_space<vmem>>) semaphore(%arg10 : memref<!tpu.dma_semaphore, #tpu.memory_space<semaphore_mem>>)
      %scan3A_41 = arith.constant 0 : i32
      %scan3A_42 = arith.constant 0 : i32
      %scan3A_43 = arith.constant 20 : i32
      %scan3A_44 = arith.addi %scan3A_42, %scan3A_43 : i32
      %scan3A_45 = arith.constant 1 : i32
      scf.for %scan3A_47 = %scan3A_42 to %scan3A_44 step %scan3A_45  : i32 {
        %mul3A_48 = arith.constant 2 : i32
        %mul3A_49 = arith.muli %mul3A_48, %scan3A_47 : i32
        %add3A_50 = arith.constant 1 : i32
        %add3A_51 = arith.addi %mul3A_49, %add3A_50 : i32
        %dma_start3A_52 = arith.constant 128 : i32
        %dma_start3A_53 = arith.constant 0 : i32
        %dma_start3A_54 = tpu.memref_slice %arg8[%dma_start3A_52, %dma_start3A_53] : memref<256x128xf32, #tpu.memory_space<vmem>> -> memref<128x128xf32, #tpu.memory_space<vmem>>
        %dma_start3A_55 = arith.constant 0 : i32
        %dma_start3A_56 = tpu.memref_slice %arg6[%add3A_51, %dma_start3A_55] : memref<40x128xi32, #tpu.memory_space<vmem>> -> memref<1x128xi32, #tpu.memory_space<vmem>>
        %dma_start3A_57 = tpu.memref_squeeze %dma_start3A_56 : memref<1x128xi32, #tpu.memory_space<vmem>> -> memref<128xi32, #tpu.memory_space<vmem>>
        %dma_start3A_58 = arith.constant 0 : i32
        %dma_start3A_59 = arith.constant 0 : i32
        %dma_start3A_60 = tpu.memref_slice %arg2[%dma_start3A_58, %dma_start3A_59] : memref<10000x128xf32, #tpu.memory_space<hbm>> -> memref<10000x128xf32, #tpu.memory_space<hbm>>
        tpu.enqueue_indirect_dma source(%dma_start3A_60 : memref<10000x128xf32, #tpu.memory_space<hbm>>) target(%dma_start3A_54 : memref<128x128xf32, #tpu.memory_space<vmem>>) offsets(%dma_start3A_57 : memref<128xi32, #tpu.memory_space<vmem>>) semaphore(%arg11 : memref<!tpu.dma_semaphore, #tpu.memory_space<semaphore_mem>>)
        %dma_wait3A = arith.constant 0 : i32
        %dma_wait3A_61 = arith.constant 0 : i32
        %dma_wait3A_62 = tpu.memref_slice %arg8[%dma_wait3A, %dma_wait3A_61] : memref<256x128xf32, #tpu.memory_space<vmem>> -> memref<128x128xf32, #tpu.memory_space<vmem>>
        %dma_wait3A_63 = arith.constant 0 : i32
        %dma_wait3A_64 = tpu.memref_slice %arg6[%mul3A_49, %dma_wait3A_63] : memref<40x128xi32, #tpu.memory_space<vmem>> -> memref<1x128xi32, #tpu.memory_space<vmem>>
        %dma_wait3A_65 = tpu.memref_squeeze %dma_wait3A_64 : memref<1x128xi32, #tpu.memory_space<vmem>> -> memref<128xi32, #tpu.memory_space<vmem>>
        %dma_wait3A_66 = arith.constant 0 : i32
        %dma_wait3A_67 = arith.constant 0 : i32
        %dma_wait3A_68 = tpu.memref_slice %arg2[%dma_wait3A_66, %dma_wait3A_67] : memref<10000x128xf32, #tpu.memory_space<hbm>> -> memref<10000x128xf32, #tpu.memory_space<hbm>>
        tpu.wait_indirect_dma semaphore(%arg10 : memref<!tpu.dma_semaphore, #tpu.memory_space<semaphore_mem>>) src(%dma_wait3A_68 : memref<10000x128xf32, #tpu.memory_space<hbm>>) dst(%dma_wait3A_62 : memref<128x128xf32, #tpu.memory_space<vmem>>)
        "tpu.region"() ({
          %run_scoped3A = tpu.sem_alloc : memref<!tpu.dma_semaphore, #tpu.memory_space<semaphore_mem>>
          %dma_start3A_84 = arith.constant 0 : i32
          %dma_start3A_85 = arith.constant 0 : i32
          %dma_start3A_86 = tpu.memref_slice %arg8[%dma_start3A_84, %dma_start3A_85] : memref<256x128xf32, #tpu.memory_space<vmem>> -> memref<128x128xf32, #tpu.memory_space<vmem>>
          %dma_start3A_87 = arith.constant 0 : i32
          %dma_start3A_88 = tpu.memref_slice %arg7[%mul3A_49, %dma_start3A_87] : memref<40x128xi32, #tpu.memory_space<vmem>> -> memref<1x128xi32, #tpu.memory_space<vmem>>
          %dma_start3A_89 = tpu.memref_squeeze %dma_start3A_88 : memref<1x128xi32, #tpu.memory_space<vmem>> -> memref<128xi32, #tpu.memory_space<vmem>>
          %dma_start3A_90 = arith.constant 0 : i32
          %dma_start3A_91 = arith.constant 0 : i32
          %dma_start3A_92 = tpu.memref_slice %arg9[%dma_start3A_90, %dma_start3A_91] : memref<10240x128xf32, #tpu.memory_space<vmem_shared>> -> memref<10240x128xf32, #tpu.memory_space<vmem_shared>>
          tpu.enqueue_indirect_dma source(%dma_start3A_86 : memref<128x128xf32, #tpu.memory_space<vmem>>) target(%dma_start3A_92 : memref<10240x128xf32, #tpu.memory_space<vmem_shared>>) offsets(%dma_start3A_89 : memref<128xi32, #tpu.memory_space<vmem>>) semaphore(%run_scoped3A : memref<!tpu.dma_semaphore, #tpu.memory_space<semaphore_mem>>) {add = true}
          %dma_wait3A_93 = arith.constant 0 : i32
          %dma_wait3A_94 = arith.constant 0 : i32
          %dma_wait3A_95 = tpu.memref_slice %arg8[%dma_wait3A_93, %dma_wait3A_94] : memref<256x128xf32, #tpu.memory_space<vmem>> -> memref<128x128xf32, #tpu.memory_space<vmem>>
          %dma_wait3A_96 = arith.constant 0 : i32
          %dma_wait3A_97 = tpu.memref_slice %arg7[%mul3A_49, %dma_wait3A_96] : memref<40x128xi32, #tpu.memory_space<vmem>> -> memref<1x128xi32, #tpu.memory_space<vmem>>
          %dma_wait3A_98 = tpu.memref_squeeze %dma_wait3A_97 : memref<1x128xi32, #tpu.memory_space<vmem>> -> memref<128xi32, #tpu.memory_space<vmem>>
          %dma_wait3A_99 = arith.constant 0 : i32
          %dma_wait3A_100 = arith.constant 0 : i32
          %dma_wait3A_101 = tpu.memref_slice %arg9[%dma_wait3A_99, %dma_wait3A_100] : memref<10240x128xf32, #tpu.memory_space<vmem_shared>> -> memref<10240x128xf32, #tpu.memory_space<vmem_shared>>
          tpu.wait_indirect_dma semaphore(%run_scoped3A : memref<!tpu.dma_semaphore, #tpu.memory_space<semaphore_mem>>) src(%dma_wait3A_95 : memref<128x128xf32, #tpu.memory_space<vmem>>) dst(%dma_wait3A_101 : memref<10240x128xf32, #tpu.memory_space<vmem_shared>>)
          tpu.yield
        }) : () -> ()
        %lt3A = arith.constant 19 : i32
        %lt3A_69 = arith.cmpi slt, %scan3A_47, %lt3A : i32
        %convert_element_type3A = arith.extui %lt3A_69 : i1 to i32
        %cond3A = arith.constant 0 : i32
        %cond3A_70 = arith.cmpi ne, %convert_element_type3A, %cond3A : i32
        scf.if %cond3A_70 {
          %add3A_84 = arith.constant 2 : i32
          %add3A_85 = arith.addi %mul3A_49, %add3A_84 : i32
          %dma_start3A_86 = arith.constant 0 : i32
          %dma_start3A_87 = arith.constant 0 : i32
          %dma_start3A_88 = tpu.memref_slice %arg8[%dma_start3A_86, %dma_start3A_87] : memref<256x128xf32, #tpu.memory_space<vmem>> -> memref<128x128xf32, #tpu.memory_space<vmem>>
          %dma_start3A_89 = arith.constant 0 : i32
          %dma_start3A_90 = tpu.memref_slice %arg6[%add3A_85, %dma_start3A_89] : memref<40x128xi32, #tpu.memory_space<vmem>> -> memref<1x128xi32, #tpu.memory_space<vmem>>
          %dma_start3A_91 = tpu.memref_squeeze %dma_start3A_90 : memref<1x128xi32, #tpu.memory_space<vmem>> -> memref<128xi32, #tpu.memory_space<vmem>>
          %dma_start3A_92 = arith.constant 0 : i32
          %dma_start3A_93 = arith.constant 0 : i32
          %dma_start3A_94 = tpu.memref_slice %arg2[%dma_start3A_92, %dma_start3A_93] : memref<10000x128xf32, #tpu.memory_space<hbm>> -> memref<10000x128xf32, #tpu.memory_space<hbm>>
          tpu.enqueue_indirect_dma source(%dma_start3A_94 : memref<10000x128xf32, #tpu.memory_space<hbm>>) target(%dma_start3A_88 : memref<128x128xf32, #tpu.memory_space<vmem>>) offsets(%dma_start3A_91 : memref<128xi32, #tpu.memory_space<vmem>>) semaphore(%arg10 : memref<!tpu.dma_semaphore, #tpu.memory_space<semaphore_mem>>)
        } else {
        }
        %add3A_71 = arith.constant 1 : i32
        %add3A_72 = arith.addi %mul3A_49, %add3A_71 : i32
        %dma_wait3A_73 = arith.constant 128 : i32
        %dma_wait3A_74 = arith.constant 0 : i32
        %dma_wait3A_75 = tpu.memref_slice %arg8[%dma_wait3A_73, %dma_wait3A_74] : memref<256x128xf32, #tpu.memory_space<vmem>> -> memref<128x128xf32, #tpu.memory_space<vmem>>
        %dma_wait3A_76 = arith.constant 0 : i32
        %dma_wait3A_77 = tpu.memref_slice %arg6[%add3A_72, %dma_wait3A_76] : memref<40x128xi32, #tpu.memory_space<vmem>> -> memref<1x128xi32, #tpu.memory_space<vmem>>
        %dma_wait3A_78 = tpu.memref_squeeze %dma_wait3A_77 : memref<1x128xi32, #tpu.memory_space<vmem>> -> memref<128xi32, #tpu.memory_space<vmem>>
        %dma_wait3A_79 = arith.constant 0 : i32
        %dma_wait3A_80 = arith.constant 0 : i32
        %dma_wait3A_81 = tpu.memref_slice %arg2[%dma_wait3A_79, %dma_wait3A_80] : memref<10000x128xf32, #tpu.memory_space<hbm>> -> memref<10000x128xf32, #tpu.memory_space<hbm>>
        tpu.wait_indirect_dma semaphore(%arg11 : memref<!tpu.dma_semaphore, #tpu.memory_space<semaphore_mem>>) src(%dma_wait3A_81 : memref<10000x128xf32, #tpu.memory_space<hbm>>) dst(%dma_wait3A_75 : memref<128x128xf32, #tpu.memory_space<vmem>>)
        %add3A_82 = arith.constant 1 : i32
        %add3A_83 = arith.addi %mul3A_49, %add3A_82 : i32
        "tpu.region"() ({
          %run_scoped3A = tpu.sem_alloc : memref<!tpu.dma_semaphore, #tpu.memory_space<semaphore_mem>>
          %dma_start3A_84 = arith.constant 128 : i32
          %dma_start3A_85 = arith.constant 0 : i32
          %dma_start3A_86 = tpu.memref_slice %arg8[%dma_start3A_84, %dma_start3A_85] : memref<256x128xf32, #tpu.memory_space<vmem>> -> memref<128x128xf32, #tpu.memory_space<vmem>>
          %dma_start3A_87 = arith.constant 0 : i32
          %dma_start3A_88 = tpu.memref_slice %arg7[%add3A_83, %dma_start3A_87] : memref<40x128xi32, #tpu.memory_space<vmem>> -> memref<1x128xi32, #tpu.memory_space<vmem>>
          %dma_start3A_89 = tpu.memref_squeeze %dma_start3A_88 : memref<1x128xi32, #tpu.memory_space<vmem>> -> memref<128xi32, #tpu.memory_space<vmem>>
          %dma_start3A_90 = arith.constant 0 : i32
          %dma_start3A_91 = arith.constant 0 : i32
          %dma_start3A_92 = tpu.memref_slice %arg9[%dma_start3A_90, %dma_start3A_91] : memref<10240x128xf32, #tpu.memory_space<vmem_shared>> -> memref<10240x128xf32, #tpu.memory_space<vmem_shared>>
          tpu.enqueue_indirect_dma source(%dma_start3A_86 : memref<128x128xf32, #tpu.memory_space<vmem>>) target(%dma_start3A_92 : memref<10240x128xf32, #tpu.memory_space<vmem_shared>>) offsets(%dma_start3A_89 : memref<128xi32, #tpu.memory_space<vmem>>) semaphore(%run_scoped3A : memref<!tpu.dma_semaphore, #tpu.memory_space<semaphore_mem>>) {add = true}
          %dma_wait3A_93 = arith.constant 128 : i32
          %dma_wait3A_94 = arith.constant 0 : i32
          %dma_wait3A_95 = tpu.memref_slice %arg8[%dma_wait3A_93, %dma_wait3A_94] : memref<256x128xf32, #tpu.memory_space<vmem>> -> memref<128x128xf32, #tpu.memory_space<vmem>>
          %dma_wait3A_96 = arith.constant 0 : i32
          %dma_wait3A_97 = tpu.memref_slice %arg7[%add3A_83, %dma_wait3A_96] : memref<40x128xi32, #tpu.memory_space<vmem>> -> memref<1x128xi32, #tpu.memory_space<vmem>>
          %dma_wait3A_98 = tpu.memref_squeeze %dma_wait3A_97 : memref<1x128xi32, #tpu.memory_space<vmem>> -> memref<128xi32, #tpu.memory_space<vmem>>
          %dma_wait3A_99 = arith.constant 0 : i32
          %dma_wait3A_100 = arith.constant 0 : i32
          %dma_wait3A_101 = tpu.memref_slice %arg9[%dma_wait3A_99, %dma_wait3A_100] : memref<10240x128xf32, #tpu.memory_space<vmem_shared>> -> memref<10240x128xf32, #tpu.memory_space<vmem_shared>>
          tpu.wait_indirect_dma semaphore(%run_scoped3A : memref<!tpu.dma_semaphore, #tpu.memory_space<semaphore_mem>>) src(%dma_wait3A_95 : memref<128x128xf32, #tpu.memory_space<vmem>>) dst(%dma_wait3A_101 : memref<10240x128xf32, #tpu.memory_space<vmem_shared>>)
          tpu.yield
        }) : () -> ()
      }
      %scan3A_46 = arith.constant 20 : i32
    }
    %scan3A_26 = arith.constant 2 : i32
    %barrier3A_27 = arith.constant 0 : index
    tpu.barrier barrier_id(%barrier3A_27)
    "tpu.region"() ({
      %run_scoped3A = tpu.sem_alloc : memref<!tpu.dma_semaphore, #tpu.memory_space<semaphore_mem>>
      %dma_start3A = arith.constant 0 : i32
      %dma_start3A_28 = tpu.memref_slice %arg5[%arg0, %mul3A_6, %dma_start3A] : memref<2x10240x128xf32, #tpu.memory_space<hbm>> -> memref<1x640x128xf32, #tpu.memory_space<hbm>>
      %dma_start3A_29 = tpu.memref_squeeze %dma_start3A_28 : memref<1x640x128xf32, #tpu.memory_space<hbm>> -> memref<640x128xf32, #tpu.memory_space<hbm>>
      %dma_start3A_30 = arith.constant 0 : i32
      %dma_start3A_31 = tpu.memref_slice %arg9[%mul3A_6, %dma_start3A_30] : memref<10240x128xf32, #tpu.memory_space<vmem_shared>> -> memref<640x128xf32, #tpu.memory_space<vmem_shared>>
      tpu.enqueue_dma source(%dma_start3A_31 : memref<640x128xf32, #tpu.memory_space<vmem_shared>>) target(%dma_start3A_29 : memref<640x128xf32, #tpu.memory_space<hbm>>) target_semaphore(%run_scoped3A : memref<!tpu.dma_semaphore, #tpu.memory_space<semaphore_mem>>)
      %dma_wait3A = arith.constant 0 : i32
      %dma_wait3A_32 = tpu.memref_slice %arg5[%arg0, %mul3A_6, %dma_wait3A] : memref<2x10240x128xf32, #tpu.memory_space<hbm>> -> memref<1x640x128xf32, #tpu.memory_space<hbm>>
      %dma_wait3A_33 = tpu.memref_squeeze %dma_wait3A_32 : memref<1x640x128xf32, #tpu.memory_space<hbm>> -> memref<640x128xf32, #tpu.memory_space<hbm>>
      %dma_wait3A_34 = arith.constant 0 : i32
      %dma_wait3A_35 = tpu.memref_slice %arg9[%mul3A_6, %dma_wait3A_34] : memref<10240x128xf32, #tpu.memory_space<vmem_shared>> -> memref<640x128xf32, #tpu.memory_space<vmem_shared>>
      tpu.wait_dma2 semaphore(%run_scoped3A : memref<!tpu.dma_semaphore, #tpu.memory_space<semaphore_mem>>) src(%dma_wait3A_35 : memref<640x128xf32, #tpu.memory_space<vmem_shared>>) dst(%dma_wait3A_33 : memref<640x128xf32, #tpu.memory_space<hbm>>)
      tpu.yield
    }) : () -> ()
    return
  }
}

#map = affine_map<(d0, d1) -> (0, 0)>
#map1 = affine_map<(d0, d1) -> (0, 0, 0)>
module attributes {stable_mosaic.version = 14 : i64} {
  func.func @sage_counts_sc(%arg0: i32, %arg1: i32, %arg2: memref<2560x128xi32, #tpu.memory_space<hbm>>, %arg3: memref<640x128xf32, #tpu.memory_space<hbm>>, %arg4: memref<128x128xf32, #tpu.memory_space<hbm>>, %arg5: memref<2x10240x128xf32, #tpu.memory_space<hbm>>, %arg6: memref<80x128xi32, #tpu.memory_space<vmem>>, %arg7: memref<128x128xf32, #tpu.memory_space<vmem>>, %arg8: memref<10240x128xf32, #tpu.memory_space<vmem_shared>>) attributes {dimension_semantics = [#tpu.dimension_semantics<core_parallel>, #tpu.dimension_semantics<subcore_parallel>], iteration_bounds = array<i64: 2, 16>, scalar_prefetch = 0 : i64, scratch_operands = 3 : i64, tpu.core_type = #tpu.core_type<sc_vector_subcore>, window_params = [{transform_indices = #map}, {transform_indices = #map}, {transform_indices = #map}, {transform_indices = #map1}]} {
    %mul3A = arith.constant 16 : i32
    %mul3A_0 = arith.muli %arg0, %mul3A : i32
    %add3A = arith.addi %mul3A_0, %arg1 : i32
    %mul3A_1 = arith.constant 80 : i32
    %mul3A_2 = arith.muli %add3A, %mul3A_1 : i32
    "tpu.region"() ({
      %run_scoped3A = tpu.sem_alloc : memref<!tpu.dma_semaphore, #tpu.memory_space<semaphore_mem>>
      %dma_start3A = arith.constant 0 : i32
      %dma_start3A_11 = tpu.memref_slice %arg2[%mul3A_2, %dma_start3A] : memref<2560x128xi32, #tpu.memory_space<hbm>> -> memref<80x128xi32, #tpu.memory_space<hbm>>
      %dma_start3A_12 = arith.constant 0 : i32
      %dma_start3A_13 = tpu.memref_slice %arg2[%mul3A_2, %dma_start3A_12] : memref<2560x128xi32, #tpu.memory_space<hbm>> -> memref<80x128xi32, #tpu.memory_space<hbm>>
      tpu.enqueue_dma source(%dma_start3A_13 : memref<80x128xi32, #tpu.memory_space<hbm>>) target(%arg6 : memref<80x128xi32, #tpu.memory_space<vmem>>) target_semaphore(%run_scoped3A : memref<!tpu.dma_semaphore, #tpu.memory_space<semaphore_mem>>)
      %dma_wait3A = arith.constant 0 : i32
      %dma_wait3A_14 = tpu.memref_slice %arg2[%mul3A_2, %dma_wait3A] : memref<2560x128xi32, #tpu.memory_space<hbm>> -> memref<80x128xi32, #tpu.memory_space<hbm>>
      %dma_wait3A_15 = arith.constant 0 : i32
      %dma_wait3A_16 = tpu.memref_slice %arg2[%mul3A_2, %dma_wait3A_15] : memref<2560x128xi32, #tpu.memory_space<hbm>> -> memref<80x128xi32, #tpu.memory_space<hbm>>
      tpu.wait_dma2 semaphore(%run_scoped3A : memref<!tpu.dma_semaphore, #tpu.memory_space<semaphore_mem>>) src(%dma_wait3A_16 : memref<80x128xi32, #tpu.memory_space<hbm>>) dst(%arg6 : memref<80x128xi32, #tpu.memory_space<vmem>>)
      tpu.yield
    }) : () -> ()
    "tpu.region"() ({
      %run_scoped3A = tpu.sem_alloc : memref<!tpu.dma_semaphore, #tpu.memory_space<semaphore_mem>>
      tpu.enqueue_dma source(%arg4 : memref<128x128xf32, #tpu.memory_space<hbm>>) target(%arg7 : memref<128x128xf32, #tpu.memory_space<vmem>>) target_semaphore(%run_scoped3A : memref<!tpu.dma_semaphore, #tpu.memory_space<semaphore_mem>>)
      tpu.wait_dma2 semaphore(%run_scoped3A : memref<!tpu.dma_semaphore, #tpu.memory_space<semaphore_mem>>) src(%arg4 : memref<128x128xf32, #tpu.memory_space<hbm>>) dst(%arg7 : memref<128x128xf32, #tpu.memory_space<vmem>>)
      tpu.yield
    }) : () -> ()
    %mul3A_3 = arith.constant 640 : i32
    %mul3A_4 = arith.muli %arg1, %mul3A_3 : i32
    "tpu.region"() ({
      %run_scoped3A = tpu.sem_alloc : memref<!tpu.dma_semaphore, #tpu.memory_space<semaphore_mem>>
      %dma_start3A = arith.constant 0 : i32
      %dma_start3A_11 = tpu.memref_slice %arg8[%mul3A_4, %dma_start3A] : memref<10240x128xf32, #tpu.memory_space<vmem_shared>> -> memref<640x128xf32, #tpu.memory_space<vmem_shared>>
      tpu.enqueue_dma source(%arg3 : memref<640x128xf32, #tpu.memory_space<hbm>>) target(%dma_start3A_11 : memref<640x128xf32, #tpu.memory_space<vmem_shared>>) target_semaphore(%run_scoped3A : memref<!tpu.dma_semaphore, #tpu.memory_space<semaphore_mem>>)
      %dma_wait3A = arith.constant 0 : i32
      %dma_wait3A_12 = tpu.memref_slice %arg8[%mul3A_4, %dma_wait3A] : memref<10240x128xf32, #tpu.memory_space<vmem_shared>> -> memref<640x128xf32, #tpu.memory_space<vmem_shared>>
      tpu.wait_dma2 semaphore(%run_scoped3A : memref<!tpu.dma_semaphore, #tpu.memory_space<semaphore_mem>>) src(%arg3 : memref<640x128xf32, #tpu.memory_space<hbm>>) dst(%dma_wait3A_12 : memref<640x128xf32, #tpu.memory_space<vmem_shared>>)
      tpu.yield
    }) : () -> ()
    %barrier3A = arith.constant 0 : index
    tpu.barrier barrier_id(%barrier3A)
    %scan3A = arith.constant 0 : i32
    %scan3A_5 = arith.constant 0 : i32
    %scan3A_6 = arith.constant 80 : i32
    %scan3A_7 = arith.addi %scan3A_5, %scan3A_6 : i32
    %scan3A_8 = arith.constant 1 : i32
    scf.for %scan3A_11 = %scan3A_5 to %scan3A_7 step %scan3A_8  : i32 {
      "tpu.region"() ({
        %run_scoped3A = tpu.sem_alloc : memref<!tpu.dma_semaphore, #tpu.memory_space<semaphore_mem>>
        %dma_start3A = arith.constant 0 : i32
        %dma_start3A_12 = tpu.memref_slice %arg6[%scan3A_11, %dma_start3A] : memref<80x128xi32, #tpu.memory_space<vmem>> -> memref<1x128xi32, #tpu.memory_space<vmem>>
        %dma_start3A_13 = tpu.memref_squeeze %dma_start3A_12 : memref<1x128xi32, #tpu.memory_space<vmem>> -> memref<128xi32, #tpu.memory_space<vmem>>
        %dma_start3A_14 = arith.constant 0 : i32
        %dma_start3A_15 = arith.constant 0 : i32
        %dma_start3A_16 = tpu.memref_slice %arg8[%dma_start3A_14, %dma_start3A_15] : memref<10240x128xf32, #tpu.memory_space<vmem_shared>> -> memref<10240x128xf32, #tpu.memory_space<vmem_shared>>
        tpu.enqueue_indirect_dma source(%arg7 : memref<128x128xf32, #tpu.memory_space<vmem>>) target(%dma_start3A_16 : memref<10240x128xf32, #tpu.memory_space<vmem_shared>>) offsets(%dma_start3A_13 : memref<128xi32, #tpu.memory_space<vmem>>) semaphore(%run_scoped3A : memref<!tpu.dma_semaphore, #tpu.memory_space<semaphore_mem>>) {add = true}
        %dma_wait3A = arith.constant 0 : i32
        %dma_wait3A_17 = tpu.memref_slice %arg6[%scan3A_11, %dma_wait3A] : memref<80x128xi32, #tpu.memory_space<vmem>> -> memref<1x128xi32, #tpu.memory_space<vmem>>
        %dma_wait3A_18 = tpu.memref_squeeze %dma_wait3A_17 : memref<1x128xi32, #tpu.memory_space<vmem>> -> memref<128xi32, #tpu.memory_space<vmem>>
        %dma_wait3A_19 = arith.constant 0 : i32
        %dma_wait3A_20 = arith.constant 0 : i32
        %dma_wait3A_21 = tpu.memref_slice %arg8[%dma_wait3A_19, %dma_wait3A_20] : memref<10240x128xf32, #tpu.memory_space<vmem_shared>> -> memref<10240x128xf32, #tpu.memory_space<vmem_shared>>
        tpu.wait_indirect_dma semaphore(%run_scoped3A : memref<!tpu.dma_semaphore, #tpu.memory_space<semaphore_mem>>) src(%arg7 : memref<128x128xf32, #tpu.memory_space<vmem>>) dst(%dma_wait3A_21 : memref<10240x128xf32, #tpu.memory_space<vmem_shared>>)
        tpu.yield
      }) : () -> ()
    }
    %scan3A_9 = arith.constant 80 : i32
    %barrier3A_10 = arith.constant 0 : index
    tpu.barrier barrier_id(%barrier3A_10)
    "tpu.region"() ({
      %run_scoped3A = tpu.sem_alloc : memref<!tpu.dma_semaphore, #tpu.memory_space<semaphore_mem>>
      %dma_start3A = arith.constant 0 : i32
      %dma_start3A_11 = tpu.memref_slice %arg5[%arg0, %mul3A_4, %dma_start3A] : memref<2x10240x128xf32, #tpu.memory_space<hbm>> -> memref<1x640x128xf32, #tpu.memory_space<hbm>>
      %dma_start3A_12 = tpu.memref_squeeze %dma_start3A_11 : memref<1x640x128xf32, #tpu.memory_space<hbm>> -> memref<640x128xf32, #tpu.memory_space<hbm>>
      %dma_start3A_13 = arith.constant 0 : i32
      %dma_start3A_14 = tpu.memref_slice %arg8[%mul3A_4, %dma_start3A_13] : memref<10240x128xf32, #tpu.memory_space<vmem_shared>> -> memref<640x128xf32, #tpu.memory_space<vmem_shared>>
      tpu.enqueue_dma source(%dma_start3A_14 : memref<640x128xf32, #tpu.memory_space<vmem_shared>>) target(%dma_start3A_12 : memref<640x128xf32, #tpu.memory_space<hbm>>) target_semaphore(%run_scoped3A : memref<!tpu.dma_semaphore, #tpu.memory_space<semaphore_mem>>)
      %dma_wait3A = arith.constant 0 : i32
      %dma_wait3A_15 = tpu.memref_slice %arg5[%arg0, %mul3A_4, %dma_wait3A] : memref<2x10240x128xf32, #tpu.memory_space<hbm>> -> memref<1x640x128xf32, #tpu.memory_space<hbm>>
      %dma_wait3A_16 = tpu.memref_squeeze %dma_wait3A_15 : memref<1x640x128xf32, #tpu.memory_space<hbm>> -> memref<640x128xf32, #tpu.memory_space<hbm>>
      %dma_wait3A_17 = arith.constant 0 : i32
      %dma_wait3A_18 = tpu.memref_slice %arg8[%mul3A_4, %dma_wait3A_17] : memref<10240x128xf32, #tpu.memory_space<vmem_shared>> -> memref<640x128xf32, #tpu.memory_space<vmem_shared>>
      tpu.wait_dma2 semaphore(%run_scoped3A : memref<!tpu.dma_semaphore, #tpu.memory_space<semaphore_mem>>) src(%dma_wait3A_18 : memref<640x128xf32, #tpu.memory_space<vmem_shared>>) dst(%dma_wait3A_16 : memref<640x128xf32, #tpu.memory_space<hbm>>)
      tpu.yield
    }) : () -> ()
    return
  }
}

#map = affine_map<(d0, d1) -> (0, 0)>
#map1 = affine_map<(d0, d1) -> (0, 0, 0)>
module attributes {stable_mosaic.version = 14 : i64} {
  func.func @sage_agg_sc(%arg0: i32, %arg1: i32, %arg2: memref<10000x128xf32, #tpu.memory_space<hbm>>, %arg3: memref<2560x128xi32, #tpu.memory_space<hbm>>, %arg4: memref<2560x128xi32, #tpu.memory_space<hbm>>, %arg5: memref<2x10240x128xf32, #tpu.memory_space<hbm>>, %arg6: memref<40x128xi32, #tpu.memory_space<vmem>>, %arg7: memref<40x128xi32, #tpu.memory_space<vmem>>, %arg8: memref<256x128xf32, #tpu.memory_space<vmem>>, %arg9: memref<10240x128xf32, #tpu.memory_space<vmem_shared>>, %arg10: memref<!tpu.dma_semaphore, #tpu.memory_space<semaphore_mem>>, %arg11: memref<!tpu.dma_semaphore, #tpu.memory_space<semaphore_mem>>) attributes {dimension_semantics = [#tpu.dimension_semantics<core_parallel>, #tpu.dimension_semantics<subcore_parallel>], iteration_bounds = array<i64: 2, 16>, scalar_prefetch = 0 : i64, scratch_operands = 6 : i64, tpu.core_type = #tpu.core_type<sc_vector_subcore>, window_params = [{transform_indices = #map}, {transform_indices = #map}, {transform_indices = #map}, {transform_indices = #map1}]} {
    %broadcast_in_dim3A = arith.constant 0.000000e+00 : f32
    %broadcast_in_dim3A_0 = vector.broadcast %broadcast_in_dim3A : f32 to vector<16xf32>
    %scan3A = arith.constant 0 : i32
    %scan3A_1 = arith.constant 0 : i32
    %scan3A_2 = arith.constant 128 : i32
    %scan3A_3 = arith.addi %scan3A_1, %scan3A_2 : i32
    %scan3A_4 = arith.constant 1 : i32
    scf.for %scan3A_28 = %scan3A_1 to %scan3A_3 step %scan3A_4  : i32 {
      %swap3A = arith.index_cast %scan3A_28 : i32 to index
      %swap3A_29 = arith.constant 0 : index
      %swap3A_30 = tpu.vector_load %arg8[%swap3A, %swap3A_29] {strides = array<i32>} : memref<256x128xf32, #tpu.memory_space<vmem>>, vector<1x16xf32>,
      %swap3A_31 = vector.shape_cast %swap3A_30 : vector<1x16xf32> to vector<16xf32>
      %swap3A_32 = vector.shape_cast %broadcast_in_dim3A_0 : vector<16xf32> to vector<1x16xf32>
      tpu.vector_store %arg8[%swap3A, %swap3A_29], %swap3A_32 {strides = array<i32>} : memref<256x128xf32, #tpu.memory_space<vmem>>, vector<1x16xf32>,
      %swap3A_33 = arith.index_cast %scan3A_28 : i32 to index
      %swap3A_34 = arith.constant 16 : index
      %swap3A_35 = tpu.vector_load %arg8[%swap3A_33, %swap3A_34] {strides = array<i32>} : memref<256x128xf32, #tpu.memory_space<vmem>>, vector<1x16xf32>,
      %swap3A_36 = vector.shape_cast %swap3A_35 : vector<1x16xf32> to vector<16xf32>
      %swap3A_37 = vector.shape_cast %broadcast_in_dim3A_0 : vector<16xf32> to vector<1x16xf32>
      tpu.vector_store %arg8[%swap3A_33, %swap3A_34], %swap3A_37 {strides = array<i32>} : memref<256x128xf32, #tpu.memory_space<vmem>>, vector<1x16xf32>,
      %swap3A_38 = arith.index_cast %scan3A_28 : i32 to index
      %swap3A_39 = arith.constant 32 : index
      %swap3A_40 = tpu.vector_load %arg8[%swap3A_38, %swap3A_39] {strides = array<i32>} : memref<256x128xf32, #tpu.memory_space<vmem>>, vector<1x16xf32>,
      %swap3A_41 = vector.shape_cast %swap3A_40 : vector<1x16xf32> to vector<16xf32>
      %swap3A_42 = vector.shape_cast %broadcast_in_dim3A_0 : vector<16xf32> to vector<1x16xf32>
      tpu.vector_store %arg8[%swap3A_38, %swap3A_39], %swap3A_42 {strides = array<i32>} : memref<256x128xf32, #tpu.memory_space<vmem>>, vector<1x16xf32>,
      %swap3A_43 = arith.index_cast %scan3A_28 : i32 to index
      %swap3A_44 = arith.constant 48 : index
      %swap3A_45 = tpu.vector_load %arg8[%swap3A_43, %swap3A_44] {strides = array<i32>} : memref<256x128xf32, #tpu.memory_space<vmem>>, vector<1x16xf32>,
      %swap3A_46 = vector.shape_cast %swap3A_45 : vector<1x16xf32> to vector<16xf32>
      %swap3A_47 = vector.shape_cast %broadcast_in_dim3A_0 : vector<16xf32> to vector<1x16xf32>
      tpu.vector_store %arg8[%swap3A_43, %swap3A_44], %swap3A_47 {strides = array<i32>} : memref<256x128xf32, #tpu.memory_space<vmem>>, vector<1x16xf32>,
      %swap3A_48 = arith.index_cast %scan3A_28 : i32 to index
      %swap3A_49 = arith.constant 64 : index
      %swap3A_50 = tpu.vector_load %arg8[%swap3A_48, %swap3A_49] {strides = array<i32>} : memref<256x128xf32, #tpu.memory_space<vmem>>, vector<1x16xf32>,
      %swap3A_51 = vector.shape_cast %swap3A_50 : vector<1x16xf32> to vector<16xf32>
      %swap3A_52 = vector.shape_cast %broadcast_in_dim3A_0 : vector<16xf32> to vector<1x16xf32>
      tpu.vector_store %arg8[%swap3A_48, %swap3A_49], %swap3A_52 {strides = array<i32>} : memref<256x128xf32, #tpu.memory_space<vmem>>, vector<1x16xf32>,
      %swap3A_53 = arith.index_cast %scan3A_28 : i32 to index
      %swap3A_54 = arith.constant 80 : index
      %swap3A_55 = tpu.vector_load %arg8[%swap3A_53, %swap3A_54] {strides = array<i32>} : memref<256x128xf32, #tpu.memory_space<vmem>>, vector<1x16xf32>,
      %swap3A_56 = vector.shape_cast %swap3A_55 : vector<1x16xf32> to vector<16xf32>
      %swap3A_57 = vector.shape_cast %broadcast_in_dim3A_0 : vector<16xf32> to vector<1x16xf32>
      tpu.vector_store %arg8[%swap3A_53, %swap3A_54], %swap3A_57 {strides = array<i32>} : memref<256x128xf32, #tpu.memory_space<vmem>>, vector<1x16xf32>,
      %swap3A_58 = arith.index_cast %scan3A_28 : i32 to index
      %swap3A_59 = arith.constant 96 : index
      %swap3A_60 = tpu.vector_load %arg8[%swap3A_58, %swap3A_59] {strides = array<i32>} : memref<256x128xf32, #tpu.memory_space<vmem>>, vector<1x16xf32>,
      %swap3A_61 = vector.shape_cast %swap3A_60 : vector<1x16xf32> to vector<16xf32>
      %swap3A_62 = vector.shape_cast %broadcast_in_dim3A_0 : vector<16xf32> to vector<1x16xf32>
      tpu.vector_store %arg8[%swap3A_58, %swap3A_59], %swap3A_62 {strides = array<i32>} : memref<256x128xf32, #tpu.memory_space<vmem>>, vector<1x16xf32>,
      %swap3A_63 = arith.index_cast %scan3A_28 : i32 to index
      %swap3A_64 = arith.constant 112 : index
      %swap3A_65 = tpu.vector_load %arg8[%swap3A_63, %swap3A_64] {strides = array<i32>} : memref<256x128xf32, #tpu.memory_space<vmem>>, vector<1x16xf32>,
      %swap3A_66 = vector.shape_cast %swap3A_65 : vector<1x16xf32> to vector<16xf32>
      %swap3A_67 = vector.shape_cast %broadcast_in_dim3A_0 : vector<16xf32> to vector<1x16xf32>
      tpu.vector_store %arg8[%swap3A_63, %swap3A_64], %swap3A_67 {strides = array<i32>} : memref<256x128xf32, #tpu.memory_space<vmem>>, vector<1x16xf32>,
    }
    %scan3A_5 = arith.constant 128 : i32
    %mul3A = arith.constant 640 : i32
    %mul3A_6 = arith.muli %arg1, %mul3A : i32
    %add3A = arith.constant 0 : i32
    %add3A_7 = arith.addi %mul3A_6, %add3A : i32
    "tpu.region"() ({
      %run_scoped3A = tpu.sem_alloc : memref<!tpu.dma_semaphore, #tpu.memory_space<semaphore_mem>>
      %dma_start3A = arith.constant 0 : i32
      %dma_start3A_28 = arith.constant 0 : i32
      %dma_start3A_29 = tpu.memref_slice %arg8[%dma_start3A, %dma_start3A_28] : memref<256x128xf32, #tpu.memory_space<vmem>> -> memref<128x128xf32, #tpu.memory_space<vmem>>
      %dma_start3A_30 = arith.constant 0 : i32
      %dma_start3A_31 = tpu.memref_slice %arg9[%add3A_7, %dma_start3A_30] : memref<10240x128xf32, #tpu.memory_space<vmem_shared>> -> memref<128x128xf32, #tpu.memory_space<vmem_shared>>
      %dma_start3A_32 = arith.constant 0 : i32
      %dma_start3A_33 = tpu.memref_slice %arg9[%add3A_7, %dma_start3A_32] : memref<10240x128xf32, #tpu.memory_space<vmem_shared>> -> memref<128x128xf32, #tpu.memory_space<vmem_shared>>
      %dma_start3A_34 = arith.constant 0 : i32
      %dma_start3A_35 = arith.constant 0 : i32
      %dma_start3A_36 = tpu.memref_slice %arg8[%dma_start3A_34, %dma_start3A_35] : memref<256x128xf32, #tpu.memory_space<vmem>> -> memref<128x128xf32, #tpu.memory_space<vmem>>
      tpu.enqueue_dma source(%dma_start3A_36 : memref<128x128xf32, #tpu.memory_space<vmem>>) target(%dma_start3A_33 : memref<128x128xf32, #tpu.memory_space<vmem_shared>>) target_semaphore(%run_scoped3A : memref<!tpu.dma_semaphore, #tpu.memory_space<semaphore_mem>>)
      %dma_wait3A = arith.constant 0 : i32
      %dma_wait3A_37 = arith.constant 0 : i32
      %dma_wait3A_38 = tpu.memref_slice %arg8[%dma_wait3A, %dma_wait3A_37] : memref<256x128xf32, #tpu.memory_space<vmem>> -> memref<128x128xf32, #tpu.memory_space<vmem>>
      %dma_wait3A_39 = arith.constant 0 : i32
      %dma_wait3A_40 = tpu.memref_slice %arg9[%add3A_7, %dma_wait3A_39] : memref<10240x128xf32, #tpu.memory_space<vmem_shared>> -> memref<128x128xf32, #tpu.memory_space<vmem_shared>>
      %dma_wait3A_41 = arith.constant 0 : i32
      %dma_wait3A_42 = tpu.memref_slice %arg9[%add3A_7, %dma_wait3A_41] : memref<10240x128xf32, #tpu.memory_space<vmem_shared>> -> memref<128x128xf32, #tpu.memory_space<vmem_shared>>
      %dma_wait3A_43 = arith.constant 0 : i32
      %dma_wait3A_44 = arith.constant 0 : i32
      %dma_wait3A_45 = tpu.memref_slice %arg8[%dma_wait3A_43, %dma_wait3A_44] : memref<256x128xf32, #tpu.memory_space<vmem>> -> memref<128x128xf32, #tpu.memory_space<vmem>>
      tpu.wait_dma2 semaphore(%run_scoped3A : memref<!tpu.dma_semaphore, #tpu.memory_space<semaphore_mem>>) src(%dma_wait3A_45 : memref<128x128xf32, #tpu.memory_space<vmem>>) dst(%dma_wait3A_42 : memref<128x128xf32, #tpu.memory_space<vmem_shared>>)
      tpu.yield
    }) : () -> ()
    %add3A_8 = arith.constant 128 : i32
    %add3A_9 = arith.addi %mul3A_6, %add3A_8 : i32
    "tpu.region"() ({
      %run_scoped3A = tpu.sem_alloc : memref<!tpu.dma_semaphore, #tpu.memory_space<semaphore_mem>>
      %dma_start3A = arith.constant 0 : i32
      %dma_start3A_28 = arith.constant 0 : i32
      %dma_start3A_29 = tpu.memref_slice %arg8[%dma_start3A, %dma_start3A_28] : memref<256x128xf32, #tpu.memory_space<vmem>> -> memref<128x128xf32, #tpu.memory_space<vmem>>
      %dma_start3A_30 = arith.constant 0 : i32
      %dma_start3A_31 = tpu.memref_slice %arg9[%add3A_9, %dma_start3A_30] : memref<10240x128xf32, #tpu.memory_space<vmem_shared>> -> memref<128x128xf32, #tpu.memory_space<vmem_shared>>
      %dma_start3A_32 = arith.constant 0 : i32
      %dma_start3A_33 = tpu.memref_slice %arg9[%add3A_9, %dma_start3A_32] : memref<10240x128xf32, #tpu.memory_space<vmem_shared>> -> memref<128x128xf32, #tpu.memory_space<vmem_shared>>
      %dma_start3A_34 = arith.constant 0 : i32
      %dma_start3A_35 = arith.constant 0 : i32
      %dma_start3A_36 = tpu.memref_slice %arg8[%dma_start3A_34, %dma_start3A_35] : memref<256x128xf32, #tpu.memory_space<vmem>> -> memref<128x128xf32, #tpu.memory_space<vmem>>
      tpu.enqueue_dma source(%dma_start3A_36 : memref<128x128xf32, #tpu.memory_space<vmem>>) target(%dma_start3A_33 : memref<128x128xf32, #tpu.memory_space<vmem_shared>>) target_semaphore(%run_scoped3A : memref<!tpu.dma_semaphore, #tpu.memory_space<semaphore_mem>>)
      %dma_wait3A = arith.constant 0 : i32
      %dma_wait3A_37 = arith.constant 0 : i32
      %dma_wait3A_38 = tpu.memref_slice %arg8[%dma_wait3A, %dma_wait3A_37] : memref<256x128xf32, #tpu.memory_space<vmem>> -> memref<128x128xf32, #tpu.memory_space<vmem>>
      %dma_wait3A_39 = arith.constant 0 : i32
      %dma_wait3A_40 = tpu.memref_slice %arg9[%add3A_9, %dma_wait3A_39] : memref<10240x128xf32, #tpu.memory_space<vmem_shared>> -> memref<128x128xf32, #tpu.memory_space<vmem_shared>>
      %dma_wait3A_41 = arith.constant 0 : i32
      %dma_wait3A_42 = tpu.memref_slice %arg9[%add3A_9, %dma_wait3A_41] : memref<10240x128xf32, #tpu.memory_space<vmem_shared>> -> memref<128x128xf32, #tpu.memory_space<vmem_shared>>
      %dma_wait3A_43 = arith.constant 0 : i32
      %dma_wait3A_44 = arith.constant 0 : i32
      %dma_wait3A_45 = tpu.memref_slice %arg8[%dma_wait3A_43, %dma_wait3A_44] : memref<256x128xf32, #tpu.memory_space<vmem>> -> memref<128x128xf32, #tpu.memory_space<vmem>>
      tpu.wait_dma2 semaphore(%run_scoped3A : memref<!tpu.dma_semaphore, #tpu.memory_space<semaphore_mem>>) src(%dma_wait3A_45 : memref<128x128xf32, #tpu.memory_space<vmem>>) dst(%dma_wait3A_42 : memref<128x128xf32, #tpu.memory_space<vmem_shared>>)
      tpu.yield
    }) : () -> ()
    %add3A_10 = arith.constant 256 : i32
    %add3A_11 = arith.addi %mul3A_6, %add3A_10 : i32
    "tpu.region"() ({
      %run_scoped3A = tpu.sem_alloc : memref<!tpu.dma_semaphore, #tpu.memory_space<semaphore_mem>>
      %dma_start3A = arith.constant 0 : i32
      %dma_start3A_28 = arith.constant 0 : i32
      %dma_start3A_29 = tpu.memref_slice %arg8[%dma_start3A, %dma_start3A_28] : memref<256x128xf32, #tpu.memory_space<vmem>> -> memref<128x128xf32, #tpu.memory_space<vmem>>
      %dma_start3A_30 = arith.constant 0 : i32
      %dma_start3A_31 = tpu.memref_slice %arg9[%add3A_11, %dma_start3A_30] : memref<10240x128xf32, #tpu.memory_space<vmem_shared>> -> memref<128x128xf32, #tpu.memory_space<vmem_shared>>
      %dma_start3A_32 = arith.constant 0 : i32
      %dma_start3A_33 = tpu.memref_slice %arg9[%add3A_11, %dma_start3A_32] : memref<10240x128xf32, #tpu.memory_space<vmem_shared>> -> memref<128x128xf32, #tpu.memory_space<vmem_shared>>
      %dma_start3A_34 = arith.constant 0 : i32
      %dma_start3A_35 = arith.constant 0 : i32
      %dma_start3A_36 = tpu.memref_slice %arg8[%dma_start3A_34, %dma_start3A_35] : memref<256x128xf32, #tpu.memory_space<vmem>> -> memref<128x128xf32, #tpu.memory_space<vmem>>
      tpu.enqueue_dma source(%dma_start3A_36 : memref<128x128xf32, #tpu.memory_space<vmem>>) target(%dma_start3A_33 : memref<128x128xf32, #tpu.memory_space<vmem_shared>>) target_semaphore(%run_scoped3A : memref<!tpu.dma_semaphore, #tpu.memory_space<semaphore_mem>>)
      %dma_wait3A = arith.constant 0 : i32
      %dma_wait3A_37 = arith.constant 0 : i32
      %dma_wait3A_38 = tpu.memref_slice %arg8[%dma_wait3A, %dma_wait3A_37] : memref<256x128xf32, #tpu.memory_space<vmem>> -> memref<128x128xf32, #tpu.memory_space<vmem>>
      %dma_wait3A_39 = arith.constant 0 : i32
      %dma_wait3A_40 = tpu.memref_slice %arg9[%add3A_11, %dma_wait3A_39] : memref<10240x128xf32, #tpu.memory_space<vmem_shared>> -> memref<128x128xf32, #tpu.memory_space<vmem_shared>>
      %dma_wait3A_41 = arith.constant 0 : i32
      %dma_wait3A_42 = tpu.memref_slice %arg9[%add3A_11, %dma_wait3A_41] : memref<10240x128xf32, #tpu.memory_space<vmem_shared>> -> memref<128x128xf32, #tpu.memory_space<vmem_shared>>
      %dma_wait3A_43 = arith.constant 0 : i32
      %dma_wait3A_44 = arith.constant 0 : i32
      %dma_wait3A_45 = tpu.memref_slice %arg8[%dma_wait3A_43, %dma_wait3A_44] : memref<256x128xf32, #tpu.memory_space<vmem>> -> memref<128x128xf32, #tpu.memory_space<vmem>>
      tpu.wait_dma2 semaphore(%run_scoped3A : memref<!tpu.dma_semaphore, #tpu.memory_space<semaphore_mem>>) src(%dma_wait3A_45 : memref<128x128xf32, #tpu.memory_space<vmem>>) dst(%dma_wait3A_42 : memref<128x128xf32, #tpu.memory_space<vmem_shared>>)
      tpu.yield
    }) : () -> ()
    %add3A_12 = arith.constant 384 : i32
    %add3A_13 = arith.addi %mul3A_6, %add3A_12 : i32
    "tpu.region"() ({
      %run_scoped3A = tpu.sem_alloc : memref<!tpu.dma_semaphore, #tpu.memory_space<semaphore_mem>>
      %dma_start3A = arith.constant 0 : i32
      %dma_start3A_28 = arith.constant 0 : i32
      %dma_start3A_29 = tpu.memref_slice %arg8[%dma_start3A, %dma_start3A_28] : memref<256x128xf32, #tpu.memory_space<vmem>> -> memref<128x128xf32, #tpu.memory_space<vmem>>
      %dma_start3A_30 = arith.constant 0 : i32
      %dma_start3A_31 = tpu.memref_slice %arg9[%add3A_13, %dma_start3A_30] : memref<10240x128xf32, #tpu.memory_space<vmem_shared>> -> memref<128x128xf32, #tpu.memory_space<vmem_shared>>
      %dma_start3A_32 = arith.constant 0 : i32
      %dma_start3A_33 = tpu.memref_slice %arg9[%add3A_13, %dma_start3A_32] : memref<10240x128xf32, #tpu.memory_space<vmem_shared>> -> memref<128x128xf32, #tpu.memory_space<vmem_shared>>
      %dma_start3A_34 = arith.constant 0 : i32
      %dma_start3A_35 = arith.constant 0 : i32
      %dma_start3A_36 = tpu.memref_slice %arg8[%dma_start3A_34, %dma_start3A_35] : memref<256x128xf32, #tpu.memory_space<vmem>> -> memref<128x128xf32, #tpu.memory_space<vmem>>
      tpu.enqueue_dma source(%dma_start3A_36 : memref<128x128xf32, #tpu.memory_space<vmem>>) target(%dma_start3A_33 : memref<128x128xf32, #tpu.memory_space<vmem_shared>>) target_semaphore(%run_scoped3A : memref<!tpu.dma_semaphore, #tpu.memory_space<semaphore_mem>>)
      %dma_wait3A = arith.constant 0 : i32
      %dma_wait3A_37 = arith.constant 0 : i32
      %dma_wait3A_38 = tpu.memref_slice %arg8[%dma_wait3A, %dma_wait3A_37] : memref<256x128xf32, #tpu.memory_space<vmem>> -> memref<128x128xf32, #tpu.memory_space<vmem>>
      %dma_wait3A_39 = arith.constant 0 : i32
      %dma_wait3A_40 = tpu.memref_slice %arg9[%add3A_13, %dma_wait3A_39] : memref<10240x128xf32, #tpu.memory_space<vmem_shared>> -> memref<128x128xf32, #tpu.memory_space<vmem_shared>>
      %dma_wait3A_41 = arith.constant 0 : i32
      %dma_wait3A_42 = tpu.memref_slice %arg9[%add3A_13, %dma_wait3A_41] : memref<10240x128xf32, #tpu.memory_space<vmem_shared>> -> memref<128x128xf32, #tpu.memory_space<vmem_shared>>
      %dma_wait3A_43 = arith.constant 0 : i32
      %dma_wait3A_44 = arith.constant 0 : i32
      %dma_wait3A_45 = tpu.memref_slice %arg8[%dma_wait3A_43, %dma_wait3A_44] : memref<256x128xf32, #tpu.memory_space<vmem>> -> memref<128x128xf32, #tpu.memory_space<vmem>>
      tpu.wait_dma2 semaphore(%run_scoped3A : memref<!tpu.dma_semaphore, #tpu.memory_space<semaphore_mem>>) src(%dma_wait3A_45 : memref<128x128xf32, #tpu.memory_space<vmem>>) dst(%dma_wait3A_42 : memref<128x128xf32, #tpu.memory_space<vmem_shared>>)
      tpu.yield
    }) : () -> ()
    %add3A_14 = arith.constant 512 : i32
    %add3A_15 = arith.addi %mul3A_6, %add3A_14 : i32
    "tpu.region"() ({
      %run_scoped3A = tpu.sem_alloc : memref<!tpu.dma_semaphore, #tpu.memory_space<semaphore_mem>>
      %dma_start3A = arith.constant 0 : i32
      %dma_start3A_28 = arith.constant 0 : i32
      %dma_start3A_29 = tpu.memref_slice %arg8[%dma_start3A, %dma_start3A_28] : memref<256x128xf32, #tpu.memory_space<vmem>> -> memref<128x128xf32, #tpu.memory_space<vmem>>
      %dma_start3A_30 = arith.constant 0 : i32
      %dma_start3A_31 = tpu.memref_slice %arg9[%add3A_15, %dma_start3A_30] : memref<10240x128xf32, #tpu.memory_space<vmem_shared>> -> memref<128x128xf32, #tpu.memory_space<vmem_shared>>
      %dma_start3A_32 = arith.constant 0 : i32
      %dma_start3A_33 = tpu.memref_slice %arg9[%add3A_15, %dma_start3A_32] : memref<10240x128xf32, #tpu.memory_space<vmem_shared>> -> memref<128x128xf32, #tpu.memory_space<vmem_shared>>
      %dma_start3A_34 = arith.constant 0 : i32
      %dma_start3A_35 = arith.constant 0 : i32
      %dma_start3A_36 = tpu.memref_slice %arg8[%dma_start3A_34, %dma_start3A_35] : memref<256x128xf32, #tpu.memory_space<vmem>> -> memref<128x128xf32, #tpu.memory_space<vmem>>
      tpu.enqueue_dma source(%dma_start3A_36 : memref<128x128xf32, #tpu.memory_space<vmem>>) target(%dma_start3A_33 : memref<128x128xf32, #tpu.memory_space<vmem_shared>>) target_semaphore(%run_scoped3A : memref<!tpu.dma_semaphore, #tpu.memory_space<semaphore_mem>>)
      %dma_wait3A = arith.constant 0 : i32
      %dma_wait3A_37 = arith.constant 0 : i32
      %dma_wait3A_38 = tpu.memref_slice %arg8[%dma_wait3A, %dma_wait3A_37] : memref<256x128xf32, #tpu.memory_space<vmem>> -> memref<128x128xf32, #tpu.memory_space<vmem>>
      %dma_wait3A_39 = arith.constant 0 : i32
      %dma_wait3A_40 = tpu.memref_slice %arg9[%add3A_15, %dma_wait3A_39] : memref<10240x128xf32, #tpu.memory_space<vmem_shared>> -> memref<128x128xf32, #tpu.memory_space<vmem_shared>>
      %dma_wait3A_41 = arith.constant 0 : i32
      %dma_wait3A_42 = tpu.memref_slice %arg9[%add3A_15, %dma_wait3A_41] : memref<10240x128xf32, #tpu.memory_space<vmem_shared>> -> memref<128x128xf32, #tpu.memory_space<vmem_shared>>
      %dma_wait3A_43 = arith.constant 0 : i32
      %dma_wait3A_44 = arith.constant 0 : i32
      %dma_wait3A_45 = tpu.memref_slice %arg8[%dma_wait3A_43, %dma_wait3A_44] : memref<256x128xf32, #tpu.memory_space<vmem>> -> memref<128x128xf32, #tpu.memory_space<vmem>>
      tpu.wait_dma2 semaphore(%run_scoped3A : memref<!tpu.dma_semaphore, #tpu.memory_space<semaphore_mem>>) src(%dma_wait3A_45 : memref<128x128xf32, #tpu.memory_space<vmem>>) dst(%dma_wait3A_42 : memref<128x128xf32, #tpu.memory_space<vmem_shared>>)
      tpu.yield
    }) : () -> ()
    %barrier3A = arith.constant 0 : index
    tpu.barrier barrier_id(%barrier3A)
    %mul3A_16 = arith.constant 16 : i32
    %mul3A_17 = arith.muli %arg0, %mul3A_16 : i32
    %add3A_18 = arith.addi %mul3A_17, %arg1 : i32
    %mul3A_19 = arith.constant 80 : i32
    %mul3A_20 = arith.muli %add3A_18, %mul3A_19 : i32
    %scan3A_21 = arith.constant 0 : i32
    %scan3A_22 = arith.constant 0 : i32
    %scan3A_23 = arith.constant 2 : i32
    %scan3A_24 = arith.addi %scan3A_22, %scan3A_23 : i32
    %scan3A_25 = arith.constant 1 : i32
    scf.for %scan3A_28 = %scan3A_22 to %scan3A_24 step %scan3A_25  : i32 {
      %mul3A_29 = arith.constant 40 : i32
      %mul3A_30 = arith.muli %scan3A_28, %mul3A_29 : i32
      %add3A_31 = arith.addi %mul3A_20, %mul3A_30 : i32
      "tpu.region"() ({
        %run_scoped3A = tpu.sem_alloc : memref<!tpu.dma_semaphore, #tpu.memory_space<semaphore_mem>>
        %dma_start3A_47 = arith.constant 0 : i32
        %dma_start3A_48 = tpu.memref_slice %arg3[%add3A_31, %dma_start3A_47] : memref<2560x128xi32, #tpu.memory_space<hbm>> -> memref<40x128xi32, #tpu.memory_space<hbm>>
        %dma_start3A_49 = arith.constant 0 : i32
        %dma_start3A_50 = tpu.memref_slice %arg3[%add3A_31, %dma_start3A_49] : memref<2560x128xi32, #tpu.memory_space<hbm>> -> memref<40x128xi32, #tpu.memory_space<hbm>>
        tpu.enqueue_dma source(%dma_start3A_50 : memref<40x128xi32, #tpu.memory_space<hbm>>) target(%arg6 : memref<40x128xi32, #tpu.memory_space<vmem>>) target_semaphore(%run_scoped3A : memref<!tpu.dma_semaphore, #tpu.memory_space<semaphore_mem>>)
        %dma_wait3A = arith.constant 0 : i32
        %dma_wait3A_51 = tpu.memref_slice %arg3[%add3A_31, %dma_wait3A] : memref<2560x128xi32, #tpu.memory_space<hbm>> -> memref<40x128xi32, #tpu.memory_space<hbm>>
        %dma_wait3A_52 = arith.constant 0 : i32
        %dma_wait3A_53 = tpu.memref_slice %arg3[%add3A_31, %dma_wait3A_52] : memref<2560x128xi32, #tpu.memory_space<hbm>> -> memref<40x128xi32, #tpu.memory_space<hbm>>
        tpu.wait_dma2 semaphore(%run_scoped3A : memref<!tpu.dma_semaphore, #tpu.memory_space<semaphore_mem>>) src(%dma_wait3A_53 : memref<40x128xi32, #tpu.memory_space<hbm>>) dst(%arg6 : memref<40x128xi32, #tpu.memory_space<vmem>>)
        tpu.yield
      }) : () -> ()
      "tpu.region"() ({
        %run_scoped3A = tpu.sem_alloc : memref<!tpu.dma_semaphore, #tpu.memory_space<semaphore_mem>>
        %dma_start3A_47 = arith.constant 0 : i32
        %dma_start3A_48 = tpu.memref_slice %arg4[%add3A_31, %dma_start3A_47] : memref<2560x128xi32, #tpu.memory_space<hbm>> -> memref<40x128xi32, #tpu.memory_space<hbm>>
        %dma_start3A_49 = arith.constant 0 : i32
        %dma_start3A_50 = tpu.memref_slice %arg4[%add3A_31, %dma_start3A_49] : memref<2560x128xi32, #tpu.memory_space<hbm>> -> memref<40x128xi32, #tpu.memory_space<hbm>>
        tpu.enqueue_dma source(%dma_start3A_50 : memref<40x128xi32, #tpu.memory_space<hbm>>) target(%arg7 : memref<40x128xi32, #tpu.memory_space<vmem>>) target_semaphore(%run_scoped3A : memref<!tpu.dma_semaphore, #tpu.memory_space<semaphore_mem>>)
        %dma_wait3A = arith.constant 0 : i32
        %dma_wait3A_51 = tpu.memref_slice %arg4[%add3A_31, %dma_wait3A] : memref<2560x128xi32, #tpu.memory_space<hbm>> -> memref<40x128xi32, #tpu.memory_space<hbm>>
        %dma_wait3A_52 = arith.constant 0 : i32
        %dma_wait3A_53 = tpu.memref_slice %arg4[%add3A_31, %dma_wait3A_52] : memref<2560x128xi32, #tpu.memory_space<hbm>> -> memref<40x128xi32, #tpu.memory_space<hbm>>
        tpu.wait_dma2 semaphore(%run_scoped3A : memref<!tpu.dma_semaphore, #tpu.memory_space<semaphore_mem>>) src(%dma_wait3A_53 : memref<40x128xi32, #tpu.memory_space<hbm>>) dst(%arg7 : memref<40x128xi32, #tpu.memory_space<vmem>>)
        tpu.yield
      }) : () -> ()
      %dma_start3A = arith.constant 0 : i32
      %dma_start3A_32 = arith.constant 0 : i32
      %dma_start3A_33 = arith.constant 0 : i32
      %dma_start3A_34 = tpu.memref_slice %arg8[%dma_start3A_32, %dma_start3A_33] : memref<256x128xf32, #tpu.memory_space<vmem>> -> memref<128x128xf32, #tpu.memory_space<vmem>>
      %dma_start3A_35 = arith.constant 0 : i32
      %dma_start3A_36 = tpu.memref_slice %arg6[%dma_start3A, %dma_start3A_35] : memref<40x128xi32, #tpu.memory_space<vmem>> -> memref<1x128xi32, #tpu.memory_space<vmem>>
      %dma_start3A_37 = tpu.memref_squeeze %dma_start3A_36 : memref<1x128xi32, #tpu.memory_space<vmem>> -> memref<128xi32, #tpu.memory_space<vmem>>
      %dma_start3A_38 = arith.constant 0 : i32
      %dma_start3A_39 = arith.constant 0 : i32
      %dma_start3A_40 = tpu.memref_slice %arg2[%dma_start3A_38, %dma_start3A_39] : memref<10000x128xf32, #tpu.memory_space<hbm>> -> memref<10000x128xf32, #tpu.memory_space<hbm>>
      tpu.enqueue_indirect_dma source(%dma_start3A_40 : memref<10000x128xf32, #tpu.memory_space<hbm>>) target(%dma_start3A_34 : memref<128x128xf32, #tpu.memory_space<vmem>>) offsets(%dma_start3A_37 : memref<128xi32, #tpu.memory_space<vmem>>) semaphore(%arg10 : memref<!tpu.dma_semaphore, #tpu.memory_space<semaphore_mem>>)
      %scan3A_41 = arith.constant 0 : i32
      %scan3A_42 = arith.constant 0 : i32
      %scan3A_43 = arith.constant 20 : i32
      %scan3A_44 = arith.addi %scan3A_42, %scan3A_43 : i32
      %scan3A_45 = arith.constant 1 : i32
      scf.for %scan3A_47 = %scan3A_42 to %scan3A_44 step %scan3A_45  : i32 {
        %mul3A_48 = arith.constant 2 : i32
        %mul3A_49 = arith.muli %mul3A_48, %scan3A_47 : i32
        %add3A_50 = arith.constant 1 : i32
        %add3A_51 = arith.addi %mul3A_49, %add3A_50 : i32
        %dma_start3A_52 = arith.constant 128 : i32
        %dma_start3A_53 = arith.constant 0 : i32
        %dma_start3A_54 = tpu.memref_slice %arg8[%dma_start3A_52, %dma_start3A_53] : memref<256x128xf32, #tpu.memory_space<vmem>> -> memref<128x128xf32, #tpu.memory_space<vmem>>
        %dma_start3A_55 = arith.constant 0 : i32
        %dma_start3A_56 = tpu.memref_slice %arg6[%add3A_51, %dma_start3A_55] : memref<40x128xi32, #tpu.memory_space<vmem>> -> memref<1x128xi32, #tpu.memory_space<vmem>>
        %dma_start3A_57 = tpu.memref_squeeze %dma_start3A_56 : memref<1x128xi32, #tpu.memory_space<vmem>> -> memref<128xi32, #tpu.memory_space<vmem>>
        %dma_start3A_58 = arith.constant 0 : i32
        %dma_start3A_59 = arith.constant 0 : i32
        %dma_start3A_60 = tpu.memref_slice %arg2[%dma_start3A_58, %dma_start3A_59] : memref<10000x128xf32, #tpu.memory_space<hbm>> -> memref<10000x128xf32, #tpu.memory_space<hbm>>
        tpu.enqueue_indirect_dma source(%dma_start3A_60 : memref<10000x128xf32, #tpu.memory_space<hbm>>) target(%dma_start3A_54 : memref<128x128xf32, #tpu.memory_space<vmem>>) offsets(%dma_start3A_57 : memref<128xi32, #tpu.memory_space<vmem>>) semaphore(%arg11 : memref<!tpu.dma_semaphore, #tpu.memory_space<semaphore_mem>>)
        %dma_wait3A = arith.constant 0 : i32
        %dma_wait3A_61 = arith.constant 0 : i32
        %dma_wait3A_62 = tpu.memref_slice %arg8[%dma_wait3A, %dma_wait3A_61] : memref<256x128xf32, #tpu.memory_space<vmem>> -> memref<128x128xf32, #tpu.memory_space<vmem>>
        %dma_wait3A_63 = arith.constant 0 : i32
        %dma_wait3A_64 = tpu.memref_slice %arg6[%mul3A_49, %dma_wait3A_63] : memref<40x128xi32, #tpu.memory_space<vmem>> -> memref<1x128xi32, #tpu.memory_space<vmem>>
        %dma_wait3A_65 = tpu.memref_squeeze %dma_wait3A_64 : memref<1x128xi32, #tpu.memory_space<vmem>> -> memref<128xi32, #tpu.memory_space<vmem>>
        %dma_wait3A_66 = arith.constant 0 : i32
        %dma_wait3A_67 = arith.constant 0 : i32
        %dma_wait3A_68 = tpu.memref_slice %arg2[%dma_wait3A_66, %dma_wait3A_67] : memref<10000x128xf32, #tpu.memory_space<hbm>> -> memref<10000x128xf32, #tpu.memory_space<hbm>>
        tpu.wait_indirect_dma semaphore(%arg10 : memref<!tpu.dma_semaphore, #tpu.memory_space<semaphore_mem>>) src(%dma_wait3A_68 : memref<10000x128xf32, #tpu.memory_space<hbm>>) dst(%dma_wait3A_62 : memref<128x128xf32, #tpu.memory_space<vmem>>)
        "tpu.region"() ({
          %run_scoped3A = tpu.sem_alloc : memref<!tpu.dma_semaphore, #tpu.memory_space<semaphore_mem>>
          %dma_start3A_84 = arith.constant 0 : i32
          %dma_start3A_85 = arith.constant 0 : i32
          %dma_start3A_86 = tpu.memref_slice %arg8[%dma_start3A_84, %dma_start3A_85] : memref<256x128xf32, #tpu.memory_space<vmem>> -> memref<128x128xf32, #tpu.memory_space<vmem>>
          %dma_start3A_87 = arith.constant 0 : i32
          %dma_start3A_88 = tpu.memref_slice %arg7[%mul3A_49, %dma_start3A_87] : memref<40x128xi32, #tpu.memory_space<vmem>> -> memref<1x128xi32, #tpu.memory_space<vmem>>
          %dma_start3A_89 = tpu.memref_squeeze %dma_start3A_88 : memref<1x128xi32, #tpu.memory_space<vmem>> -> memref<128xi32, #tpu.memory_space<vmem>>
          %dma_start3A_90 = arith.constant 0 : i32
          %dma_start3A_91 = arith.constant 0 : i32
          %dma_start3A_92 = tpu.memref_slice %arg9[%dma_start3A_90, %dma_start3A_91] : memref<10240x128xf32, #tpu.memory_space<vmem_shared>> -> memref<10240x128xf32, #tpu.memory_space<vmem_shared>>
          tpu.enqueue_indirect_dma source(%dma_start3A_86 : memref<128x128xf32, #tpu.memory_space<vmem>>) target(%dma_start3A_92 : memref<10240x128xf32, #tpu.memory_space<vmem_shared>>) offsets(%dma_start3A_89 : memref<128xi32, #tpu.memory_space<vmem>>) semaphore(%run_scoped3A : memref<!tpu.dma_semaphore, #tpu.memory_space<semaphore_mem>>) {add = true}
          %dma_wait3A_93 = arith.constant 0 : i32
          %dma_wait3A_94 = arith.constant 0 : i32
          %dma_wait3A_95 = tpu.memref_slice %arg8[%dma_wait3A_93, %dma_wait3A_94] : memref<256x128xf32, #tpu.memory_space<vmem>> -> memref<128x128xf32, #tpu.memory_space<vmem>>
          %dma_wait3A_96 = arith.constant 0 : i32
          %dma_wait3A_97 = tpu.memref_slice %arg7[%mul3A_49, %dma_wait3A_96] : memref<40x128xi32, #tpu.memory_space<vmem>> -> memref<1x128xi32, #tpu.memory_space<vmem>>
          %dma_wait3A_98 = tpu.memref_squeeze %dma_wait3A_97 : memref<1x128xi32, #tpu.memory_space<vmem>> -> memref<128xi32, #tpu.memory_space<vmem>>
          %dma_wait3A_99 = arith.constant 0 : i32
          %dma_wait3A_100 = arith.constant 0 : i32
          %dma_wait3A_101 = tpu.memref_slice %arg9[%dma_wait3A_99, %dma_wait3A_100] : memref<10240x128xf32, #tpu.memory_space<vmem_shared>> -> memref<10240x128xf32, #tpu.memory_space<vmem_shared>>
          tpu.wait_indirect_dma semaphore(%run_scoped3A : memref<!tpu.dma_semaphore, #tpu.memory_space<semaphore_mem>>) src(%dma_wait3A_95 : memref<128x128xf32, #tpu.memory_space<vmem>>) dst(%dma_wait3A_101 : memref<10240x128xf32, #tpu.memory_space<vmem_shared>>)
          tpu.yield
        }) : () -> ()
        %lt3A = arith.constant 19 : i32
        %lt3A_69 = arith.cmpi slt, %scan3A_47, %lt3A : i32
        %convert_element_type3A = arith.extui %lt3A_69 : i1 to i32
        %cond3A = arith.constant 0 : i32
        %cond3A_70 = arith.cmpi ne, %convert_element_type3A, %cond3A : i32
        scf.if %cond3A_70 {
          %add3A_84 = arith.constant 2 : i32
          %add3A_85 = arith.addi %mul3A_49, %add3A_84 : i32
          %dma_start3A_86 = arith.constant 0 : i32
          %dma_start3A_87 = arith.constant 0 : i32
          %dma_start3A_88 = tpu.memref_slice %arg8[%dma_start3A_86, %dma_start3A_87] : memref<256x128xf32, #tpu.memory_space<vmem>> -> memref<128x128xf32, #tpu.memory_space<vmem>>
          %dma_start3A_89 = arith.constant 0 : i32
          %dma_start3A_90 = tpu.memref_slice %arg6[%add3A_85, %dma_start3A_89] : memref<40x128xi32, #tpu.memory_space<vmem>> -> memref<1x128xi32, #tpu.memory_space<vmem>>
          %dma_start3A_91 = tpu.memref_squeeze %dma_start3A_90 : memref<1x128xi32, #tpu.memory_space<vmem>> -> memref<128xi32, #tpu.memory_space<vmem>>
          %dma_start3A_92 = arith.constant 0 : i32
          %dma_start3A_93 = arith.constant 0 : i32
          %dma_start3A_94 = tpu.memref_slice %arg2[%dma_start3A_92, %dma_start3A_93] : memref<10000x128xf32, #tpu.memory_space<hbm>> -> memref<10000x128xf32, #tpu.memory_space<hbm>>
          tpu.enqueue_indirect_dma source(%dma_start3A_94 : memref<10000x128xf32, #tpu.memory_space<hbm>>) target(%dma_start3A_88 : memref<128x128xf32, #tpu.memory_space<vmem>>) offsets(%dma_start3A_91 : memref<128xi32, #tpu.memory_space<vmem>>) semaphore(%arg10 : memref<!tpu.dma_semaphore, #tpu.memory_space<semaphore_mem>>)
        } else {
        }
        %add3A_71 = arith.constant 1 : i32
        %add3A_72 = arith.addi %mul3A_49, %add3A_71 : i32
        %dma_wait3A_73 = arith.constant 128 : i32
        %dma_wait3A_74 = arith.constant 0 : i32
        %dma_wait3A_75 = tpu.memref_slice %arg8[%dma_wait3A_73, %dma_wait3A_74] : memref<256x128xf32, #tpu.memory_space<vmem>> -> memref<128x128xf32, #tpu.memory_space<vmem>>
        %dma_wait3A_76 = arith.constant 0 : i32
        %dma_wait3A_77 = tpu.memref_slice %arg6[%add3A_72, %dma_wait3A_76] : memref<40x128xi32, #tpu.memory_space<vmem>> -> memref<1x128xi32, #tpu.memory_space<vmem>>
        %dma_wait3A_78 = tpu.memref_squeeze %dma_wait3A_77 : memref<1x128xi32, #tpu.memory_space<vmem>> -> memref<128xi32, #tpu.memory_space<vmem>>
        %dma_wait3A_79 = arith.constant 0 : i32
        %dma_wait3A_80 = arith.constant 0 : i32
        %dma_wait3A_81 = tpu.memref_slice %arg2[%dma_wait3A_79, %dma_wait3A_80] : memref<10000x128xf32, #tpu.memory_space<hbm>> -> memref<10000x128xf32, #tpu.memory_space<hbm>>
        tpu.wait_indirect_dma semaphore(%arg11 : memref<!tpu.dma_semaphore, #tpu.memory_space<semaphore_mem>>) src(%dma_wait3A_81 : memref<10000x128xf32, #tpu.memory_space<hbm>>) dst(%dma_wait3A_75 : memref<128x128xf32, #tpu.memory_space<vmem>>)
        %add3A_82 = arith.constant 1 : i32
        %add3A_83 = arith.addi %mul3A_49, %add3A_82 : i32
        "tpu.region"() ({
          %run_scoped3A = tpu.sem_alloc : memref<!tpu.dma_semaphore, #tpu.memory_space<semaphore_mem>>
          %dma_start3A_84 = arith.constant 128 : i32
          %dma_start3A_85 = arith.constant 0 : i32
          %dma_start3A_86 = tpu.memref_slice %arg8[%dma_start3A_84, %dma_start3A_85] : memref<256x128xf32, #tpu.memory_space<vmem>> -> memref<128x128xf32, #tpu.memory_space<vmem>>
          %dma_start3A_87 = arith.constant 0 : i32
          %dma_start3A_88 = tpu.memref_slice %arg7[%add3A_83, %dma_start3A_87] : memref<40x128xi32, #tpu.memory_space<vmem>> -> memref<1x128xi32, #tpu.memory_space<vmem>>
          %dma_start3A_89 = tpu.memref_squeeze %dma_start3A_88 : memref<1x128xi32, #tpu.memory_space<vmem>> -> memref<128xi32, #tpu.memory_space<vmem>>
          %dma_start3A_90 = arith.constant 0 : i32
          %dma_start3A_91 = arith.constant 0 : i32
          %dma_start3A_92 = tpu.memref_slice %arg9[%dma_start3A_90, %dma_start3A_91] : memref<10240x128xf32, #tpu.memory_space<vmem_shared>> -> memref<10240x128xf32, #tpu.memory_space<vmem_shared>>
          tpu.enqueue_indirect_dma source(%dma_start3A_86 : memref<128x128xf32, #tpu.memory_space<vmem>>) target(%dma_start3A_92 : memref<10240x128xf32, #tpu.memory_space<vmem_shared>>) offsets(%dma_start3A_89 : memref<128xi32, #tpu.memory_space<vmem>>) semaphore(%run_scoped3A : memref<!tpu.dma_semaphore, #tpu.memory_space<semaphore_mem>>) {add = true}
          %dma_wait3A_93 = arith.constant 128 : i32
          %dma_wait3A_94 = arith.constant 0 : i32
          %dma_wait3A_95 = tpu.memref_slice %arg8[%dma_wait3A_93, %dma_wait3A_94] : memref<256x128xf32, #tpu.memory_space<vmem>> -> memref<128x128xf32, #tpu.memory_space<vmem>>
          %dma_wait3A_96 = arith.constant 0 : i32
          %dma_wait3A_97 = tpu.memref_slice %arg7[%add3A_83, %dma_wait3A_96] : memref<40x128xi32, #tpu.memory_space<vmem>> -> memref<1x128xi32, #tpu.memory_space<vmem>>
          %dma_wait3A_98 = tpu.memref_squeeze %dma_wait3A_97 : memref<1x128xi32, #tpu.memory_space<vmem>> -> memref<128xi32, #tpu.memory_space<vmem>>
          %dma_wait3A_99 = arith.constant 0 : i32
          %dma_wait3A_100 = arith.constant 0 : i32
          %dma_wait3A_101 = tpu.memref_slice %arg9[%dma_wait3A_99, %dma_wait3A_100] : memref<10240x128xf32, #tpu.memory_space<vmem_shared>> -> memref<10240x128xf32, #tpu.memory_space<vmem_shared>>
          tpu.wait_indirect_dma semaphore(%run_scoped3A : memref<!tpu.dma_semaphore, #tpu.memory_space<semaphore_mem>>) src(%dma_wait3A_95 : memref<128x128xf32, #tpu.memory_space<vmem>>) dst(%dma_wait3A_101 : memref<10240x128xf32, #tpu.memory_space<vmem_shared>>)
          tpu.yield
        }) : () -> ()
      }
      %scan3A_46 = arith.constant 20 : i32
    }
    %scan3A_26 = arith.constant 2 : i32
    %barrier3A_27 = arith.constant 0 : index
    tpu.barrier barrier_id(%barrier3A_27)
    "tpu.region"() ({
      %run_scoped3A = tpu.sem_alloc : memref<!tpu.dma_semaphore, #tpu.memory_space<semaphore_mem>>
      %dma_start3A = arith.constant 0 : i32
      %dma_start3A_28 = tpu.memref_slice %arg5[%arg0, %mul3A_6, %dma_start3A] : memref<2x10240x128xf32, #tpu.memory_space<hbm>> -> memref<1x640x128xf32, #tpu.memory_space<hbm>>
      %dma_start3A_29 = tpu.memref_squeeze %dma_start3A_28 : memref<1x640x128xf32, #tpu.memory_space<hbm>> -> memref<640x128xf32, #tpu.memory_space<hbm>>
      %dma_start3A_30 = arith.constant 0 : i32
      %dma_start3A_31 = tpu.memref_slice %arg9[%mul3A_6, %dma_start3A_30] : memref<10240x128xf32, #tpu.memory_space<vmem_shared>> -> memref<640x128xf32, #tpu.memory_space<vmem_shared>>
      tpu.enqueue_dma source(%dma_start3A_31 : memref<640x128xf32, #tpu.memory_space<vmem_shared>>) target(%dma_start3A_29 : memref<640x128xf32, #tpu.memory_space<hbm>>) target_semaphore(%run_scoped3A : memref<!tpu.dma_semaphore, #tpu.memory_space<semaphore_mem>>)
      %dma_wait3A = arith.constant 0 : i32
      %dma_wait3A_32 = tpu.memref_slice %arg5[%arg0, %mul3A_6, %dma_wait3A] : memref<2x10240x128xf32, #tpu.memory_space<hbm>> -> memref<1x640x128xf32, #tpu.memory_space<hbm>>
      %dma_wait3A_33 = tpu.memref_squeeze %dma_wait3A_32 : memref<1x640x128xf32, #tpu.memory_space<hbm>> -> memref<640x128xf32, #tpu.memory_space<hbm>>
      %dma_wait3A_34 = arith.constant 0 : i32
      %dma_wait3A_35 = tpu.memref_slice %arg9[%mul3A_6, %dma_wait3A_34] : memref<10240x128xf32, #tpu.memory_space<vmem_shared>> -> memref<640x128xf32, #tpu.memory_space<vmem_shared>>
      tpu.wait_dma2 semaphore(%run_scoped3A : memref<!tpu.dma_semaphore, #tpu.memory_space<semaphore_mem>>) src(%dma_wait3A_35 : memref<640x128xf32, #tpu.memory_space<vmem_shared>>) dst(%dma_wait3A_33 : memref<640x128xf32, #tpu.memory_space<hbm>>)
      tpu.yield
    }) : () -> ()
    return
  }
}

module attributes {stable_mosaic.version = 14 : i64} {
  func.func @sage_dense0_tc_mm(%arg0: i32, %arg1: memref<2x1000x128xf32, #tpu.memory_space<vmem>>, %arg2: memref<2x1000x128xf32, #tpu.memory_space<vmem>>, %arg3: memref<1000x128xf32, #tpu.memory_space<vmem>>, %arg4: memref<128x128xf32, #tpu.memory_space<vmem>>, %arg5: memref<128xf32, #tpu.memory_space<vmem>>, %arg6: memref<128x128xf32, #tpu.memory_space<vmem>>, %arg7: memref<1000x128xf32, #tpu.memory_space<vmem>>, %arg8: memref<8x128xf32, #tpu.memory_space<vmem>>) attributes {dimension_semantics = [#tpu.dimension_semantics<arbitrary>], iteration_bounds = array<i64: 10>, scalar_prefetch = 0 : i64, scratch_operands = 0 : i64, tpu.core_type = #tpu.core_type<tc>, window_params = [{transform_indices = @transform_0, window_bounds = array<i64: 2, 1000, 128>}, {transform_indices = @transform_1, window_bounds = array<i64: 2, 1000, 128>}, {transform_indices = @transform_2, window_bounds = array<i64: 1000, 128>}, {pipeline_mode = #tpu.pipeline_mode<synchronous>, transform_indices = @transform_3, window_bounds = array<i64: 128, 128>}, {pipeline_mode = #tpu.pipeline_mode<synchronous>, transform_indices = @transform_4, window_bounds = array<i64: 128>}, {pipeline_mode = #tpu.pipeline_mode<synchronous>, transform_indices = @transform_5, window_bounds = array<i64: 128, 128>}, {transform_indices = @transform_6, window_bounds = array<i64: 1000, 128>}, {pipeline_mode = #tpu.pipeline_mode<synchronous>, transform_indices = @transform_7, window_bounds = array<i64: 8, 128>}]} {
    %get3A = arith.constant 0 : index
    %get3A_0 = arith.constant 0 : index
    %get3A_1 = arith.constant 0 : index
    %get3A_2 = vector.load %arg1[%get3A, %get3A_0, %get3A_1] : memref<2x1000x128xf32, #tpu.memory_space<vmem>>, vector<1x1000x128xf32>
    %get3A_3 = vector.shape_cast %get3A_2 : vector<1x1000x128xf32> to vector<1000x128xf32>
    %get3A_4 = arith.constant 1 : index
    %get3A_5 = arith.constant 0 : index
    %get3A_6 = arith.constant 0 : index
    %get3A_7 = vector.load %arg1[%get3A_4, %get3A_5, %get3A_6] : memref<2x1000x128xf32, #tpu.memory_space<vmem>>, vector<1x1000x128xf32>
    %get3A_8 = vector.shape_cast %get3A_7 : vector<1x1000x128xf32> to vector<1000x128xf32>
    %add3A = arith.addf %get3A_3, %get3A_8 : vector<1000x128xf32>
    %get3A_9 = arith.constant 0 : index
    %get3A_10 = arith.constant 0 : index
    %get3A_11 = arith.constant 0 : index
    %get3A_12 = vector.load %arg2[%get3A_9, %get3A_10, %get3A_11] : memref<2x1000x128xf32, #tpu.memory_space<vmem>>, vector<1x1000x1xf32>
    %get3A_13 = vector.shape_cast %get3A_12 : vector<1x1000x1xf32> to vector<1000x1xf32>
    %get3A_14 = arith.constant 1 : index
    %get3A_15 = arith.constant 0 : index
    %get3A_16 = arith.constant 0 : index
    %get3A_17 = vector.load %arg2[%get3A_14, %get3A_15, %get3A_16] : memref<2x1000x128xf32, #tpu.memory_space<vmem>>, vector<1x1000x1xf32>
    %get3A_18 = vector.shape_cast %get3A_17 : vector<1x1000x1xf32> to vector<1000x1xf32>
    %add3A_19 = arith.addf %get3A_13, %get3A_18 : vector<1000x1xf32>
    %max3A = arith.constant 1.000000e+00 : f32
    %max3A_20 = vector.broadcast %max3A : f32 to vector<1000x1xf32>
    %max3A_21 = arith.maximumf %add3A_19, %max3A_20 : vector<1000x1xf32>
    %div3A = vector.broadcast %max3A_21 : vector<1000x1xf32> to vector<1000x128xf32>
    %div3A_22 = arith.divf %add3A, %div3A : vector<1000x128xf32>
    %get3A_23 = arith.constant 0 : index
    %get3A_24 = arith.constant 0 : index
    %get3A_25 = vector.load %arg4[%get3A_23, %get3A_24] : memref<128x128xf32, #tpu.memory_space<vmem>>, vector<128x128xf32>
    %dot_general3A = arith.constant dense<0.000000e+00> : vector<1000x128xf32>
    %dot_general3A_26 = tpu.matmul %div3A_22, %get3A_25, %dot_general3A {dimension_numbers = #tpu.dot_dimension_numbers<[1], [0], [0], [1], [0, 0, 1, 1], [], []>, precision = #tpu.contract_precision<fp32>, transpose_lhs_hint = false} : vector<1000x128xf32>, vector<128x128xf32>, vector<1000x128xf32> -> vector<1000x128xf32>
    %get3A_27 = arith.constant 0 : index
    %get3A_28 = vector.load %arg5[%get3A_27] : memref<128xf32, #tpu.memory_space<vmem>>, vector<128xf32>
    %broadcast_in_dim3A = vector.shape_cast %get3A_28 : vector<128xf32> to vector<1x128xf32>
    %add3A_29 = vector.broadcast %broadcast_in_dim3A : vector<1x128xf32> to vector<1000x128xf32>
    %add3A_30 = arith.addf %dot_general3A_26, %add3A_29 : vector<1000x128xf32>
    %get3A_31 = arith.constant 0 : index
    %get3A_32 = arith.constant 0 : index
    %get3A_33 = vector.load %arg3[%get3A_31, %get3A_32] : memref<1000x128xf32, #tpu.memory_space<vmem>>, vector<1000x128xf32>
    %get3A_34 = arith.constant 0 : index
    %get3A_35 = arith.constant 0 : index
    %get3A_36 = vector.load %arg6[%get3A_34, %get3A_35] : memref<128x128xf32, #tpu.memory_space<vmem>>, vector<128x128xf32>
    %dot_general3A_37 = arith.constant dense<0.000000e+00> : vector<1000x128xf32>
    %dot_general3A_38 = tpu.matmul %get3A_33, %get3A_36, %dot_general3A_37 {dimension_numbers = #tpu.dot_dimension_numbers<[1], [0], [0], [1], [0, 0, 1, 1], [], []>, precision = #tpu.contract_precision<fp32>, transpose_lhs_hint = false} : vector<1000x128xf32>, vector<128x128xf32>, vector<1000x128xf32> -> vector<1000x128xf32>
    %add3A_39 = arith.addf %add3A_30, %dot_general3A_38 : vector<1000x128xf32>
    %swap3A = arith.constant 0 : index
    %swap3A_40 = arith.constant 0 : index
    %swap3A_41 = vector.load %arg7[%swap3A, %swap3A_40] : memref<1000x128xf32, #tpu.memory_space<vmem>>, vector<1000x128xf32>
    tpu.vector_store %arg7[%swap3A, %swap3A_40], %add3A_39 {strides = array<i32>} : memref<1000x128xf32, #tpu.memory_space<vmem>>, vector<1000x128xf32>,
    %eq3A = arith.constant 0 : i32
    %eq3A_42 = arith.cmpi eq, %arg0, %eq3A : i32
    %convert_element_type3A = arith.extui %eq3A_42 : i1 to i32
    %cond3A = arith.constant 0 : i32
    %cond3A_43 = arith.cmpi ne, %convert_element_type3A, %cond3A : i32
    scf.if %cond3A_43 {
      %broadcast_in_dim3A_63 = arith.constant 0.000000e+00 : f32
      %broadcast_in_dim3A_64 = vector.broadcast %broadcast_in_dim3A_63 : f32 to vector<8x128xf32>
      %swap3A_65 = arith.constant 0 : index
      %swap3A_66 = arith.constant 0 : index
      %swap3A_67 = vector.load %arg8[%swap3A_65, %swap3A_66] : memref<8x128xf32, #tpu.memory_space<vmem>>, vector<8x128xf32>
      tpu.vector_store %arg8[%swap3A_65, %swap3A_66], %broadcast_in_dim3A_64 {strides = array<i32>} : memref<8x128xf32, #tpu.memory_space<vmem>>, vector<8x128xf32>,
    } else {
    }
    %get3A_44 = arith.constant 0 : index
    %get3A_45 = arith.constant 0 : index
    %get3A_46 = vector.load %arg8[%get3A_44, %get3A_45] : memref<8x128xf32, #tpu.memory_space<vmem>>, vector<1x128xf32>
    %reduce_sum3A = arith.constant dense<0.000000e+00> : vector<128xf32>
    %reduce_sum3A_47 = vector.multi_reduction <add>, %add3A_39, %reduce_sum3A [0] : vector<1000x128xf32> to vector<128xf32>
    %broadcast_in_dim3A_48 = vector.shape_cast %reduce_sum3A_47 : vector<128xf32> to vector<1x128xf32>
    %add3A_49 = arith.addf %get3A_46, %broadcast_in_dim3A_48 : vector<1x128xf32>
    %swap3A_50 = arith.constant 0 : index
    %swap3A_51 = arith.constant 0 : index
    %swap3A_52 = vector.load %arg8[%swap3A_50, %swap3A_51] : memref<8x128xf32, #tpu.memory_space<vmem>>, vector<1x128xf32>
    tpu.vector_store %arg8[%swap3A_50, %swap3A_51], %add3A_49 {strides = array<i32>} : memref<8x128xf32, #tpu.memory_space<vmem>>, vector<1x128xf32>,
    %get3A_53 = arith.constant 1 : index
    %get3A_54 = arith.constant 0 : index
    %get3A_55 = vector.load %arg8[%get3A_53, %get3A_54] : memref<8x128xf32, #tpu.memory_space<vmem>>, vector<1x128xf32>
    %mul3A = arith.mulf %add3A_39, %add3A_39 : vector<1000x128xf32>
    %reduce_sum3A_56 = arith.constant dense<0.000000e+00> : vector<128xf32>
    %reduce_sum3A_57 = vector.multi_reduction <add>, %mul3A, %reduce_sum3A_56 [0] : vector<1000x128xf32> to vector<128xf32>
    %broadcast_in_dim3A_58 = vector.shape_cast %reduce_sum3A_57 : vector<128xf32> to vector<1x128xf32>
    %add3A_59 = arith.addf %get3A_55, %broadcast_in_dim3A_58 : vector<1x128xf32>
    %swap3A_60 = arith.constant 1 : index
    %swap3A_61 = arith.constant 0 : index
    %swap3A_62 = vector.load %arg8[%swap3A_60, %swap3A_61] : memref<8x128xf32, #tpu.memory_space<vmem>>, vector<1x128xf32>
    tpu.vector_store %arg8[%swap3A_60, %swap3A_61], %add3A_59 {strides = array<i32>} : memref<8x128xf32, #tpu.memory_space<vmem>>, vector<1x128xf32>,
    return
  }
  func.func @transform_0(%arg0: i32) -> (i32, i32, i32) {
    %c0_i32 = arith.constant 0 : i32
    %c0_i32_0 = arith.constant 0 : i32
    %c0_i32_1 = arith.constant 0 : i32
    return %c0_i32, %arg0, %c0_i32_0 : i32, i32, i32
  }
  func.func @transform_1(%arg0: i32) -> (i32, i32, i32) {
    %c0_i32 = arith.constant 0 : i32
    %c0_i32_0 = arith.constant 0 : i32
    %c0_i32_1 = arith.constant 0 : i32
    return %c0_i32, %arg0, %c0_i32_0 : i32, i32, i32
  }
  func.func @transform_2(%arg0: i32) -> (i32, i32) {
    %c0_i32 = arith.constant 0 : i32
    %c0_i32_0 = arith.constant 0 : i32
    return %arg0, %c0_i32 : i32, i32
  }
  func.func @transform_3(%arg0: i32) -> (i32, i32) {
    %c0_i32 = arith.constant 0 : i32
    %c0_i32_0 = arith.constant 0 : i32
    %c0_i32_1 = arith.constant 0 : i32
    return %c0_i32, %c0_i32_0 : i32, i32
  }
  func.func @transform_4(%arg0: i32) -> i32 {
    %c0_i32 = arith.constant 0 : i32
    %c0_i32_0 = arith.constant 0 : i32
    return %c0_i32 : i32
  }
  func.func @transform_5(%arg0: i32) -> (i32, i32) {
    %c0_i32 = arith.constant 0 : i32
    %c0_i32_0 = arith.constant 0 : i32
    %c0_i32_1 = arith.constant 0 : i32
    return %c0_i32, %c0_i32_0 : i32, i32
  }
  func.func @transform_6(%arg0: i32) -> (i32, i32) {
    %c0_i32 = arith.constant 0 : i32
    %c0_i32_0 = arith.constant 0 : i32
    return %arg0, %c0_i32 : i32, i32
  }
  func.func @transform_7(%arg0: i32) -> (i32, i32) {
    %c0_i32 = arith.constant 0 : i32
    %c0_i32_0 = arith.constant 0 : i32
    %c0_i32_1 = arith.constant 0 : i32
    return %c0_i32, %c0_i32_0 : i32, i32
  }
}

module attributes {stable_mosaic.version = 14 : i64} {
  func.func @sage_dense0_tc_bn(%arg0: i32, %arg1: memref<1000x128xf32, #tpu.memory_space<vmem>>, %arg2: memref<8x128xf32, #tpu.memory_space<vmem>>, %arg3: memref<128xf32, #tpu.memory_space<vmem>>, %arg4: memref<128xf32, #tpu.memory_space<vmem>>, %arg5: memref<1000x128xf32, #tpu.memory_space<vmem>>) attributes {dimension_semantics = [#tpu.dimension_semantics<arbitrary>], iteration_bounds = array<i64: 10>, scalar_prefetch = 0 : i64, scratch_operands = 0 : i64, tpu.core_type = #tpu.core_type<tc>, window_params = [{transform_indices = @transform_0, window_bounds = array<i64: 1000, 128>}, {pipeline_mode = #tpu.pipeline_mode<synchronous>, transform_indices = @transform_1, window_bounds = array<i64: 8, 128>}, {pipeline_mode = #tpu.pipeline_mode<synchronous>, transform_indices = @transform_2, window_bounds = array<i64: 128>}, {pipeline_mode = #tpu.pipeline_mode<synchronous>, transform_indices = @transform_3, window_bounds = array<i64: 128>}, {transform_indices = @transform_4, window_bounds = array<i64: 1000, 128>}]} {
    %get3A = arith.constant 0 : index
    %get3A_0 = arith.constant 0 : index
    %get3A_1 = vector.load %arg2[%get3A, %get3A_0] : memref<8x128xf32, #tpu.memory_space<vmem>>, vector<1x128xf32>
    %mul3A = arith.constant 9.99999974E-5 : f32
    %mul3A_2 = vector.broadcast %mul3A : f32 to vector<1x128xf32>
    %mul3A_3 = arith.mulf %get3A_1, %mul3A_2 : vector<1x128xf32>
    %get3A_4 = arith.constant 1 : index
    %get3A_5 = arith.constant 0 : index
    %get3A_6 = vector.load %arg2[%get3A_4, %get3A_5] : memref<8x128xf32, #tpu.memory_space<vmem>>, vector<1x128xf32>
    %mul3A_7 = arith.constant 9.99999974E-5 : f32
    %mul3A_8 = vector.broadcast %mul3A_7 : f32 to vector<1x128xf32>
    %mul3A_9 = arith.mulf %get3A_6, %mul3A_8 : vector<1x128xf32>
    %mul3A_10 = arith.mulf %mul3A_3, %mul3A_3 : vector<1x128xf32>
    %sub3A = arith.subf %mul3A_9, %mul3A_10 : vector<1x128xf32>
    %get3A_11 = arith.constant 0 : index
    %get3A_12 = arith.constant 0 : index
    %get3A_13 = vector.load %arg1[%get3A_11, %get3A_12] : memref<1000x128xf32, #tpu.memory_space<vmem>>, vector<1000x128xf32>
    %get3A_14 = arith.constant 0 : index
    %get3A_15 = vector.load %arg3[%get3A_14] : memref<128xf32, #tpu.memory_space<vmem>>, vector<128xf32>
    %broadcast_in_dim3A = vector.shape_cast %get3A_15 : vector<128xf32> to vector<1x128xf32>
    %sub3A_16 = vector.broadcast %mul3A_3 : vector<1x128xf32> to vector<1000x128xf32>
    %sub3A_17 = arith.subf %get3A_13, %sub3A_16 : vector<1000x128xf32>
    %mul3A_18 = vector.broadcast %broadcast_in_dim3A : vector<1x128xf32> to vector<1000x128xf32>
    %mul3A_19 = arith.mulf %mul3A_18, %sub3A_17 : vector<1000x128xf32>
    %add3A = arith.constant 9.99999974E-6 : f32
    %add3A_20 = vector.broadcast %add3A : f32 to vector<1x128xf32>
    %add3A_21 = arith.addf %sub3A, %add3A_20 : vector<1x128xf32>
    %rsqrt3A = math.rsqrt %add3A_21 : vector<1x128xf32>
    %mul3A_22 = vector.broadcast %rsqrt3A : vector<1x128xf32> to vector<1000x128xf32>
    %mul3A_23 = arith.mulf %mul3A_19, %mul3A_22 : vector<1000x128xf32>
    %get3A_24 = arith.constant 0 : index
    %get3A_25 = vector.load %arg4[%get3A_24] : memref<128xf32, #tpu.memory_space<vmem>>, vector<128xf32>
    %broadcast_in_dim3A_26 = vector.shape_cast %get3A_25 : vector<128xf32> to vector<1x128xf32>
    %add3A_27 = vector.broadcast %broadcast_in_dim3A_26 : vector<1x128xf32> to vector<1000x128xf32>
    %add3A_28 = arith.addf %mul3A_23, %add3A_27 : vector<1000x128xf32>
    %max3A = arith.constant 0.000000e+00 : f32
    %max3A_29 = vector.broadcast %max3A : f32 to vector<1000x128xf32>
    %max3A_30 = arith.maximumf %add3A_28, %max3A_29 : vector<1000x128xf32>
    %swap3A = arith.constant 0 : index
    %swap3A_31 = arith.constant 0 : index
    %swap3A_32 = vector.load %arg5[%swap3A, %swap3A_31] : memref<1000x128xf32, #tpu.memory_space<vmem>>, vector<1000x128xf32>
    tpu.vector_store %arg5[%swap3A, %swap3A_31], %max3A_30 {strides = array<i32>} : memref<1000x128xf32, #tpu.memory_space<vmem>>, vector<1000x128xf32>,
    return
  }
  func.func @transform_0(%arg0: i32) -> (i32, i32) {
    %c0_i32 = arith.constant 0 : i32
    %c0_i32_0 = arith.constant 0 : i32
    return %arg0, %c0_i32 : i32, i32
  }
  func.func @transform_1(%arg0: i32) -> (i32, i32) {
    %c0_i32 = arith.constant 0 : i32
    %c0_i32_0 = arith.constant 0 : i32
    %c0_i32_1 = arith.constant 0 : i32
    return %c0_i32, %c0_i32_0 : i32, i32
  }
  func.func @transform_2(%arg0: i32) -> i32 {
    %c0_i32 = arith.constant 0 : i32
    %c0_i32_0 = arith.constant 0 : i32
    return %c0_i32 : i32
  }
  func.func @transform_3(%arg0: i32) -> i32 {
    %c0_i32 = arith.constant 0 : i32
    %c0_i32_0 = arith.constant 0 : i32
    return %c0_i32 : i32
  }
  func.func @transform_4(%arg0: i32) -> (i32, i32) {
    %c0_i32 = arith.constant 0 : i32
    %c0_i32_0 = arith.constant 0 : i32
    return %arg0, %c0_i32 : i32, i32
  }
}

module attributes {stable_mosaic.version = 14 : i64} {
  func.func @sage_dense1_tc_mm(%arg0: i32, %arg1: memref<2x1000x128xf32, #tpu.memory_space<vmem>>, %arg2: memref<2x1000x128xf32, #tpu.memory_space<vmem>>, %arg3: memref<1000x128xf32, #tpu.memory_space<vmem>>, %arg4: memref<128x128xf32, #tpu.memory_space<vmem>>, %arg5: memref<128xf32, #tpu.memory_space<vmem>>, %arg6: memref<128x128xf32, #tpu.memory_space<vmem>>, %arg7: memref<1000x128xf32, #tpu.memory_space<vmem>>, %arg8: memref<8x128xf32, #tpu.memory_space<vmem>>) attributes {dimension_semantics = [#tpu.dimension_semantics<arbitrary>], iteration_bounds = array<i64: 10>, scalar_prefetch = 0 : i64, scratch_operands = 0 : i64, tpu.core_type = #tpu.core_type<tc>, window_params = [{transform_indices = @transform_0, window_bounds = array<i64: 2, 1000, 128>}, {transform_indices = @transform_1, window_bounds = array<i64: 2, 1000, 128>}, {transform_indices = @transform_2, window_bounds = array<i64: 1000, 128>}, {pipeline_mode = #tpu.pipeline_mode<synchronous>, transform_indices = @transform_3, window_bounds = array<i64: 128, 128>}, {pipeline_mode = #tpu.pipeline_mode<synchronous>, transform_indices = @transform_4, window_bounds = array<i64: 128>}, {pipeline_mode = #tpu.pipeline_mode<synchronous>, transform_indices = @transform_5, window_bounds = array<i64: 128, 128>}, {transform_indices = @transform_6, window_bounds = array<i64: 1000, 128>}, {pipeline_mode = #tpu.pipeline_mode<synchronous>, transform_indices = @transform_7, window_bounds = array<i64: 8, 128>}]} {
    %get3A = arith.constant 0 : index
    %get3A_0 = arith.constant 0 : index
    %get3A_1 = arith.constant 0 : index
    %get3A_2 = vector.load %arg1[%get3A, %get3A_0, %get3A_1] : memref<2x1000x128xf32, #tpu.memory_space<vmem>>, vector<1x1000x128xf32>
    %get3A_3 = vector.shape_cast %get3A_2 : vector<1x1000x128xf32> to vector<1000x128xf32>
    %get3A_4 = arith.constant 1 : index
    %get3A_5 = arith.constant 0 : index
    %get3A_6 = arith.constant 0 : index
    %get3A_7 = vector.load %arg1[%get3A_4, %get3A_5, %get3A_6] : memref<2x1000x128xf32, #tpu.memory_space<vmem>>, vector<1x1000x128xf32>
    %get3A_8 = vector.shape_cast %get3A_7 : vector<1x1000x128xf32> to vector<1000x128xf32>
    %add3A = arith.addf %get3A_3, %get3A_8 : vector<1000x128xf32>
    %get3A_9 = arith.constant 0 : index
    %get3A_10 = arith.constant 0 : index
    %get3A_11 = arith.constant 0 : index
    %get3A_12 = vector.load %arg2[%get3A_9, %get3A_10, %get3A_11] : memref<2x1000x128xf32, #tpu.memory_space<vmem>>, vector<1x1000x1xf32>
    %get3A_13 = vector.shape_cast %get3A_12 : vector<1x1000x1xf32> to vector<1000x1xf32>
    %get3A_14 = arith.constant 1 : index
    %get3A_15 = arith.constant 0 : index
    %get3A_16 = arith.constant 0 : index
    %get3A_17 = vector.load %arg2[%get3A_14, %get3A_15, %get3A_16] : memref<2x1000x128xf32, #tpu.memory_space<vmem>>, vector<1x1000x1xf32>
    %get3A_18 = vector.shape_cast %get3A_17 : vector<1x1000x1xf32> to vector<1000x1xf32>
    %add3A_19 = arith.addf %get3A_13, %get3A_18 : vector<1000x1xf32>
    %max3A = arith.constant 1.000000e+00 : f32
    %max3A_20 = vector.broadcast %max3A : f32 to vector<1000x1xf32>
    %max3A_21 = arith.maximumf %add3A_19, %max3A_20 : vector<1000x1xf32>
    %div3A = vector.broadcast %max3A_21 : vector<1000x1xf32> to vector<1000x128xf32>
    %div3A_22 = arith.divf %add3A, %div3A : vector<1000x128xf32>
    %get3A_23 = arith.constant 0 : index
    %get3A_24 = arith.constant 0 : index
    %get3A_25 = vector.load %arg4[%get3A_23, %get3A_24] : memref<128x128xf32, #tpu.memory_space<vmem>>, vector<128x128xf32>
    %dot_general3A = arith.constant dense<0.000000e+00> : vector<1000x128xf32>
    %dot_general3A_26 = tpu.matmul %div3A_22, %get3A_25, %dot_general3A {dimension_numbers = #tpu.dot_dimension_numbers<[1], [0], [0], [1], [0, 0, 1, 1], [], []>, precision = #tpu.contract_precision<fp32>, transpose_lhs_hint = false} : vector<1000x128xf32>, vector<128x128xf32>, vector<1000x128xf32> -> vector<1000x128xf32>
    %get3A_27 = arith.constant 0 : index
    %get3A_28 = vector.load %arg5[%get3A_27] : memref<128xf32, #tpu.memory_space<vmem>>, vector<128xf32>
    %broadcast_in_dim3A = vector.shape_cast %get3A_28 : vector<128xf32> to vector<1x128xf32>
    %add3A_29 = vector.broadcast %broadcast_in_dim3A : vector<1x128xf32> to vector<1000x128xf32>
    %add3A_30 = arith.addf %dot_general3A_26, %add3A_29 : vector<1000x128xf32>
    %get3A_31 = arith.constant 0 : index
    %get3A_32 = arith.constant 0 : index
    %get3A_33 = vector.load %arg3[%get3A_31, %get3A_32] : memref<1000x128xf32, #tpu.memory_space<vmem>>, vector<1000x128xf32>
    %get3A_34 = arith.constant 0 : index
    %get3A_35 = arith.constant 0 : index
    %get3A_36 = vector.load %arg6[%get3A_34, %get3A_35] : memref<128x128xf32, #tpu.memory_space<vmem>>, vector<128x128xf32>
    %dot_general3A_37 = arith.constant dense<0.000000e+00> : vector<1000x128xf32>
    %dot_general3A_38 = tpu.matmul %get3A_33, %get3A_36, %dot_general3A_37 {dimension_numbers = #tpu.dot_dimension_numbers<[1], [0], [0], [1], [0, 0, 1, 1], [], []>, precision = #tpu.contract_precision<fp32>, transpose_lhs_hint = false} : vector<1000x128xf32>, vector<128x128xf32>, vector<1000x128xf32> -> vector<1000x128xf32>
    %add3A_39 = arith.addf %add3A_30, %dot_general3A_38 : vector<1000x128xf32>
    %swap3A = arith.constant 0 : index
    %swap3A_40 = arith.constant 0 : index
    %swap3A_41 = vector.load %arg7[%swap3A, %swap3A_40] : memref<1000x128xf32, #tpu.memory_space<vmem>>, vector<1000x128xf32>
    tpu.vector_store %arg7[%swap3A, %swap3A_40], %add3A_39 {strides = array<i32>} : memref<1000x128xf32, #tpu.memory_space<vmem>>, vector<1000x128xf32>,
    %eq3A = arith.constant 0 : i32
    %eq3A_42 = arith.cmpi eq, %arg0, %eq3A : i32
    %convert_element_type3A = arith.extui %eq3A_42 : i1 to i32
    %cond3A = arith.constant 0 : i32
    %cond3A_43 = arith.cmpi ne, %convert_element_type3A, %cond3A : i32
    scf.if %cond3A_43 {
      %broadcast_in_dim3A_63 = arith.constant 0.000000e+00 : f32
      %broadcast_in_dim3A_64 = vector.broadcast %broadcast_in_dim3A_63 : f32 to vector<8x128xf32>
      %swap3A_65 = arith.constant 0 : index
      %swap3A_66 = arith.constant 0 : index
      %swap3A_67 = vector.load %arg8[%swap3A_65, %swap3A_66] : memref<8x128xf32, #tpu.memory_space<vmem>>, vector<8x128xf32>
      tpu.vector_store %arg8[%swap3A_65, %swap3A_66], %broadcast_in_dim3A_64 {strides = array<i32>} : memref<8x128xf32, #tpu.memory_space<vmem>>, vector<8x128xf32>,
    } else {
    }
    %get3A_44 = arith.constant 0 : index
    %get3A_45 = arith.constant 0 : index
    %get3A_46 = vector.load %arg8[%get3A_44, %get3A_45] : memref<8x128xf32, #tpu.memory_space<vmem>>, vector<1x128xf32>
    %reduce_sum3A = arith.constant dense<0.000000e+00> : vector<128xf32>
    %reduce_sum3A_47 = vector.multi_reduction <add>, %add3A_39, %reduce_sum3A [0] : vector<1000x128xf32> to vector<128xf32>
    %broadcast_in_dim3A_48 = vector.shape_cast %reduce_sum3A_47 : vector<128xf32> to vector<1x128xf32>
    %add3A_49 = arith.addf %get3A_46, %broadcast_in_dim3A_48 : vector<1x128xf32>
    %swap3A_50 = arith.constant 0 : index
    %swap3A_51 = arith.constant 0 : index
    %swap3A_52 = vector.load %arg8[%swap3A_50, %swap3A_51] : memref<8x128xf32, #tpu.memory_space<vmem>>, vector<1x128xf32>
    tpu.vector_store %arg8[%swap3A_50, %swap3A_51], %add3A_49 {strides = array<i32>} : memref<8x128xf32, #tpu.memory_space<vmem>>, vector<1x128xf32>,
    %get3A_53 = arith.constant 1 : index
    %get3A_54 = arith.constant 0 : index
    %get3A_55 = vector.load %arg8[%get3A_53, %get3A_54] : memref<8x128xf32, #tpu.memory_space<vmem>>, vector<1x128xf32>
    %mul3A = arith.mulf %add3A_39, %add3A_39 : vector<1000x128xf32>
    %reduce_sum3A_56 = arith.constant dense<0.000000e+00> : vector<128xf32>
    %reduce_sum3A_57 = vector.multi_reduction <add>, %mul3A, %reduce_sum3A_56 [0] : vector<1000x128xf32> to vector<128xf32>
    %broadcast_in_dim3A_58 = vector.shape_cast %reduce_sum3A_57 : vector<128xf32> to vector<1x128xf32>
    %add3A_59 = arith.addf %get3A_55, %broadcast_in_dim3A_58 : vector<1x128xf32>
    %swap3A_60 = arith.constant 1 : index
    %swap3A_61 = arith.constant 0 : index
    %swap3A_62 = vector.load %arg8[%swap3A_60, %swap3A_61] : memref<8x128xf32, #tpu.memory_space<vmem>>, vector<1x128xf32>
    tpu.vector_store %arg8[%swap3A_60, %swap3A_61], %add3A_59 {strides = array<i32>} : memref<8x128xf32, #tpu.memory_space<vmem>>, vector<1x128xf32>,
    return
  }
  func.func @transform_0(%arg0: i32) -> (i32, i32, i32) {
    %c0_i32 = arith.constant 0 : i32
    %c0_i32_0 = arith.constant 0 : i32
    %c0_i32_1 = arith.constant 0 : i32
    return %c0_i32, %arg0, %c0_i32_0 : i32, i32, i32
  }
  func.func @transform_1(%arg0: i32) -> (i32, i32, i32) {
    %c0_i32 = arith.constant 0 : i32
    %c0_i32_0 = arith.constant 0 : i32
    %c0_i32_1 = arith.constant 0 : i32
    return %c0_i32, %arg0, %c0_i32_0 : i32, i32, i32
  }
  func.func @transform_2(%arg0: i32) -> (i32, i32) {
    %c0_i32 = arith.constant 0 : i32
    %c0_i32_0 = arith.constant 0 : i32
    return %arg0, %c0_i32 : i32, i32
  }
  func.func @transform_3(%arg0: i32) -> (i32, i32) {
    %c0_i32 = arith.constant 0 : i32
    %c0_i32_0 = arith.constant 0 : i32
    %c0_i32_1 = arith.constant 0 : i32
    return %c0_i32, %c0_i32_0 : i32, i32
  }
  func.func @transform_4(%arg0: i32) -> i32 {
    %c0_i32 = arith.constant 0 : i32
    %c0_i32_0 = arith.constant 0 : i32
    return %c0_i32 : i32
  }
  func.func @transform_5(%arg0: i32) -> (i32, i32) {
    %c0_i32 = arith.constant 0 : i32
    %c0_i32_0 = arith.constant 0 : i32
    %c0_i32_1 = arith.constant 0 : i32
    return %c0_i32, %c0_i32_0 : i32, i32
  }
  func.func @transform_6(%arg0: i32) -> (i32, i32) {
    %c0_i32 = arith.constant 0 : i32
    %c0_i32_0 = arith.constant 0 : i32
    return %arg0, %c0_i32 : i32, i32
  }
  func.func @transform_7(%arg0: i32) -> (i32, i32) {
    %c0_i32 = arith.constant 0 : i32
    %c0_i32_0 = arith.constant 0 : i32
    %c0_i32_1 = arith.constant 0 : i32
    return %c0_i32, %c0_i32_0 : i32, i32
  }
}

module attributes {stable_mosaic.version = 14 : i64} {
  func.func @sage_dense1_tc_bn(%arg0: i32, %arg1: memref<1000x128xf32, #tpu.memory_space<vmem>>, %arg2: memref<8x128xf32, #tpu.memory_space<vmem>>, %arg3: memref<128xf32, #tpu.memory_space<vmem>>, %arg4: memref<128xf32, #tpu.memory_space<vmem>>, %arg5: memref<1000x128xf32, #tpu.memory_space<vmem>>) attributes {dimension_semantics = [#tpu.dimension_semantics<arbitrary>], iteration_bounds = array<i64: 10>, scalar_prefetch = 0 : i64, scratch_operands = 0 : i64, tpu.core_type = #tpu.core_type<tc>, window_params = [{transform_indices = @transform_0, window_bounds = array<i64: 1000, 128>}, {pipeline_mode = #tpu.pipeline_mode<synchronous>, transform_indices = @transform_1, window_bounds = array<i64: 8, 128>}, {pipeline_mode = #tpu.pipeline_mode<synchronous>, transform_indices = @transform_2, window_bounds = array<i64: 128>}, {pipeline_mode = #tpu.pipeline_mode<synchronous>, transform_indices = @transform_3, window_bounds = array<i64: 128>}, {transform_indices = @transform_4, window_bounds = array<i64: 1000, 128>}]} {
    %get3A = arith.constant 0 : index
    %get3A_0 = arith.constant 0 : index
    %get3A_1 = vector.load %arg2[%get3A, %get3A_0] : memref<8x128xf32, #tpu.memory_space<vmem>>, vector<1x128xf32>
    %mul3A = arith.constant 9.99999974E-5 : f32
    %mul3A_2 = vector.broadcast %mul3A : f32 to vector<1x128xf32>
    %mul3A_3 = arith.mulf %get3A_1, %mul3A_2 : vector<1x128xf32>
    %get3A_4 = arith.constant 1 : index
    %get3A_5 = arith.constant 0 : index
    %get3A_6 = vector.load %arg2[%get3A_4, %get3A_5] : memref<8x128xf32, #tpu.memory_space<vmem>>, vector<1x128xf32>
    %mul3A_7 = arith.constant 9.99999974E-5 : f32
    %mul3A_8 = vector.broadcast %mul3A_7 : f32 to vector<1x128xf32>
    %mul3A_9 = arith.mulf %get3A_6, %mul3A_8 : vector<1x128xf32>
    %mul3A_10 = arith.mulf %mul3A_3, %mul3A_3 : vector<1x128xf32>
    %sub3A = arith.subf %mul3A_9, %mul3A_10 : vector<1x128xf32>
    %get3A_11 = arith.constant 0 : index
    %get3A_12 = arith.constant 0 : index
    %get3A_13 = vector.load %arg1[%get3A_11, %get3A_12] : memref<1000x128xf32, #tpu.memory_space<vmem>>, vector<1000x128xf32>
    %get3A_14 = arith.constant 0 : index
    %get3A_15 = vector.load %arg3[%get3A_14] : memref<128xf32, #tpu.memory_space<vmem>>, vector<128xf32>
    %broadcast_in_dim3A = vector.shape_cast %get3A_15 : vector<128xf32> to vector<1x128xf32>
    %sub3A_16 = vector.broadcast %mul3A_3 : vector<1x128xf32> to vector<1000x128xf32>
    %sub3A_17 = arith.subf %get3A_13, %sub3A_16 : vector<1000x128xf32>
    %mul3A_18 = vector.broadcast %broadcast_in_dim3A : vector<1x128xf32> to vector<1000x128xf32>
    %mul3A_19 = arith.mulf %mul3A_18, %sub3A_17 : vector<1000x128xf32>
    %add3A = arith.constant 9.99999974E-6 : f32
    %add3A_20 = vector.broadcast %add3A : f32 to vector<1x128xf32>
    %add3A_21 = arith.addf %sub3A, %add3A_20 : vector<1x128xf32>
    %rsqrt3A = math.rsqrt %add3A_21 : vector<1x128xf32>
    %mul3A_22 = vector.broadcast %rsqrt3A : vector<1x128xf32> to vector<1000x128xf32>
    %mul3A_23 = arith.mulf %mul3A_19, %mul3A_22 : vector<1000x128xf32>
    %get3A_24 = arith.constant 0 : index
    %get3A_25 = vector.load %arg4[%get3A_24] : memref<128xf32, #tpu.memory_space<vmem>>, vector<128xf32>
    %broadcast_in_dim3A_26 = vector.shape_cast %get3A_25 : vector<128xf32> to vector<1x128xf32>
    %add3A_27 = vector.broadcast %broadcast_in_dim3A_26 : vector<1x128xf32> to vector<1000x128xf32>
    %add3A_28 = arith.addf %mul3A_23, %add3A_27 : vector<1000x128xf32>
    %swap3A = arith.constant 0 : index
    %swap3A_29 = arith.constant 0 : index
    %swap3A_30 = vector.load %arg5[%swap3A, %swap3A_29] : memref<1000x128xf32, #tpu.memory_space<vmem>>, vector<1000x128xf32>
    tpu.vector_store %arg5[%swap3A, %swap3A_29], %add3A_28 {strides = array<i32>} : memref<1000x128xf32, #tpu.memory_space<vmem>>, vector<1000x128xf32>,
    return
  }
  func.func @transform_0(%arg0: i32) -> (i32, i32) {
    %c0_i32 = arith.constant 0 : i32
    %c0_i32_0 = arith.constant 0 : i32
    return %arg0, %c0_i32 : i32, i32
  }
  func.func @transform_1(%arg0: i32) -> (i32, i32) {
    %c0_i32 = arith.constant 0 : i32
    %c0_i32_0 = arith.constant 0 : i32
    %c0_i32_1 = arith.constant 0 : i32
    return %c0_i32, %c0_i32_0 : i32, i32
  }
  func.func @transform_2(%arg0: i32) -> i32 {
    %c0_i32 = arith.constant 0 : i32
    %c0_i32_0 = arith.constant 0 : i32
    return %c0_i32 : i32
  }
  func.func @transform_3(%arg0: i32) -> i32 {
    %c0_i32 = arith.constant 0 : i32
    %c0_i32_0 = arith.constant 0 : i32
    return %c0_i32 : i32
  }
  func.func @transform_4(%arg0: i32) -> (i32, i32) {
    %c0_i32 = arith.constant 0 : i32
    %c0_i32_0 = arith.constant 0 : i32
    return %arg0, %c0_i32 : i32, i32
  }
}

</mosaic_0001>

<sc_bundles>
// kernel: sage_agg_sc.4.cloned.1.call-start
scs
__scs_entry_jumppad:
0x0: {  	(pc) =	sbr.rel $0x88, $3  }
0x1: {  	(tag) =	ssettag $0x0;
	lr =	simm.s32 $0x1  }
0x2: {  	[smem:$0x3F95] =	sst lr;
	_ =	strace $0xD0000000  }
0x3: {  	_ = 	snop  }
0x4: {  	_ = 	snop  }
0x5: {  	_ = 	snop  }
0x6: {  	_ = 	snop  }
0x7: {  	_ = 	snop  }
__scs_overlays_trampoline_lowered:
0x8: {  	[smem:$0x3FA4] =	sst s0  }
0x9: {  	[smem:$0x3FA5] =	sst s1  }
0xa: {  	[smem:$0x3FA6] =	sst s2  }
0xb: {  	[smem:$0x3FA7] =	sst s3  }
0xc: {  	[smem:$0x3FA8] =	sst s4  }
0xd: {  	[smem:$0x3FA9] =	sst s5  }
0xe: {  	[smem:$0x3FAA] =	sst s6  }
0xf: {  	[smem:$0x3FAB] =	sst s7  }
0x10: {  	[smem:$0x3FAC] =	sst s8  }
0x11: {  	[smem:$0x3FAD] =	sst s9;
	s0 =	simm.s32 @!p0 $0x0  }
0x12: {  	s1 =	sld [smem:$0x3F93];
	s0 =	simm.s32 @p0 $0x1  }
0x13: {  	[smem:$0x3FAE] =	sst s0;
	s0 =	simm.s32 @!p1 $0x0  }
0x14: {  	s2 =	sld [smem:$0x3F92];
	s0 =	simm.s32 @p1 $0x1  }
0x15: {  	[smem:$0x3FAF] =	sst s0;
	s0 =	simm.s32 @!p2 $0x0  }
0x16: {  	s3 =	sld [smem:$0x3FDB];
	s0 =	simm.s32 @p2 $0x1  }
0x17: {  	s4 =	simm.s32 $0x1BF5;
	[smem:$0x3FB1] =	sst s0  }
0x18: {  	s0 =	sld [smem:$0x3F94];
	_ =	swait.ge [sflag:s4], $0x0  }
0x19: {  	s7 =	sld [smem:$0x3F95]  }
0x1a: {  	s8 =	sadd.s32 $0xFFFFE003, lr  }
0x1b: {  	s9 =	sadd.s32 $0xFFFFFEF7, lr;
	s5 =	simm.s32 $0xFFFFFFFF;
	p2 =	slt.u32 s8, $0xFFFFF086  }
0x1c: {  	p1 =	slt.u32 s9, $0xF7A;
	s5 =	simm.s32 @!p2 $0x0  }
0x1d: {  	s5 =	simm.s32 @p1 $0x1;
	p0 =	seq.s32 s7, s2  }
0x1e: {  	s7 =	smul.u32 @!p0 $0xF7A, s2;
	p2 =	seq.s32 @!p0 s5, $0x0  }
0x1f: {  	s9 =	smul.u32 $0xF7A, s1;
	s8 =	simm.s32 @!p0 $0x1BF5;
	p2 =	por !p2, p0  }
0x20: {  	[sflag:s8] =	ssyncset.s32 @!p0 $0xFFFFF086;
	s6 =	sadd.s32 @!p0 s3, s7;
	s7 =	simm.s32 @!p0 $0x108  }
0x21: {  	s3 =	sadd.s32 s3, s9;
	s6 =	sadd.s32 @!p0 $0x88, s6;
	s7 =	simm.s32 @p2 $0x1082  }
0x22: {  	[simem:s7], [sflag:s8] =	dma.local @!p0 [hbm:s6], $0xF7A  }
0x23: {  	s9 =	sor.u32 $0xD0000000, s2;
	s6 =	simm.s32 $0x108;
	_ =	swait.ge @!p0 [sflag:s8], $0x0  }
0x24: {  	s3 =	sadd.s32 $0x88, s3;
	s6 =	simm.s32 @!p1 $0x1082;
	[sflag:s4] =	ssyncset.s32 $0xFFFFF086  }
0x25: {  	[simem:s6], [sflag:s4] =	dma.local [hbm:s3], $0xF7A  }
0x26: {  	[smem:$0x3F95] =	sst s1;
	(tag) =	ssettag s2;
	_ =	strace s9  }
0x27: {  	s1 =	sld [smem:$0x3FA5]  }
0x28: {  	s2 =	sld [smem:$0x3FA6]  }
0x29: {  	s4 =	sld [smem:$0x3FA8]  }
0x2a: {  	p0 =	seq.s32 s5, $0x0;
	s5 =	sld [smem:$0x3FA9]  }
0x2b: {  	s6 =	sld [smem:$0x3FAA]  }
0x2c: {  	s7 =	sld [smem:$0x3FAB]  }
0x2d: {  	s3 =	simm.s32 $0x108;
	s8 =	sld [smem:$0x3FAC]  }
0x2e: {  	s3 =	simm.s32 @!p0 $0x1082;
	s9 =	sld [smem:$0x3FAD]  }
0x2f: {  	lr =	sadd.s32 s0, s3;
	s0 =	sld [smem:$0x3FA4]  }
0x30: {  	s3 =	sld [smem:$0x3FA7]  }
0x31: {  	[smem:$0x3FB0] =	sst s10  }
0x32: {  	s10 =	sld [smem:$0x3FAE];
	_ =	sdelay $0x3  }
0x33: {  	p0 =	seq.s32 s10, $0x1;
	s10 =	sld [smem:$0x3FB0];
	_ =	sdelay $0x3  }
0x34: {  	[smem:$0x3FB0] =	sst s10  }
0x35: {  	s10 =	sld [smem:$0x3FAF];
	_ =	sdelay $0x3  }
0x36: {  	p1 =	seq.s32 s10, $0x1;
	s10 =	sld [smem:$0x3FB0];
	_ =	sdelay $0x3  }
0x37: {  	[smem:$0x3FB0] =	sst s10  }
0x38: {  	s10 =	sld [smem:$0x3FB1]  }
0x39: {  	_ = 	snop;
	(pc) =	sbr.ind lr, $3  }
0x3a: {  	_ = 	snop  }
0x3b: {  	_ = 	snop  }
0x3c: {  	p2 =	seq.s32 s10, $0x1;
	s10 =	sld [smem:$0x3FB0]  }
0x3d: {  	_ =	shalt  }
0x3e: {  	_ =	shalt  }
0x3f: {  	_ =	shalt  }
0x40: {  	_ =	shalt  }
0x41: {  	_ =	shalt  }
0x42: {  	_ =	shalt  }
0x43: {  	_ =	shalt  }
0x44: {  	_ =	shalt  }
0x45: {  	_ =	shalt  }
0x46: {  	_ =	shalt  }
0x47: {  	_ =	shalt  }
0x48: {  	_ =	shalt  }
0x49: {  	_ =	shalt  }
0x4a: {  	_ =	shalt  }
0x4b: {  	_ =	shalt  }
0x4c: {  	_ =	shalt  }
0x4d: {  	_ =	shalt  }
0x4e: {  	_ =	shalt  }
0x4f: {  	_ =	shalt  }
0x50: {  	_ =	shalt  }
0x51: {  	_ =	shalt  }
0x52: {  	_ =	shalt  }
0x53: {  	_ =	shalt  }
0x54: {  	_ =	shalt  }
0x55: {  	_ =	shalt  }
0x56: {  	_ =	shalt  }
0x57: {  	_ =	shalt  }
0x58: {  	_ =	shalt  }
0x59: {  	_ =	shalt  }
0x5a: {  	_ =	shalt  }
0x5b: {  	_ =	shalt  }
0x5c: {  	_ =	shalt  }
0x5d: {  	_ =	shalt  }
0x5e: {  	_ =	shalt  }
0x5f: {  	_ =	shalt  }
0x60: {  	_ =	shalt  }
0x61: {  	_ =	shalt  }
0x62: {  	_ =	shalt  }
0x63: {  	_ =	shalt  }
0x64: {  	_ =	shalt  }
0x65: {  	_ =	shalt  }
0x66: {  	_ =	shalt  }
0x67: {  	_ =	shalt  }
0x68: {  	_ =	shalt  }
0x69: {  	_ =	shalt  }
0x6a: {  	_ =	shalt  }
0x6b: {  	_ =	shalt  }
0x6c: {  	_ =	shalt  }
0x6d: {  	_ =	shalt  }
0x6e: {  	_ =	shalt  }
0x6f: {  	_ =	shalt  }
0x70: {  	_ =	shalt  }
0x71: {  	_ =	shalt  }
0x72: {  	_ =	shalt  }
0x73: {  	_ =	shalt  }
0x74: {  	_ =	shalt  }
0x75: {  	_ =	shalt  }
0x76: {  	_ =	shalt  }
0x77: {  	_ =	shalt  }
0x78: {  	_ =	shalt  }
0x79: {  	_ =	shalt  }
0x7a: {  	_ =	shalt  }
0x7b: {  	_ =	shalt  }
0x7c: {  	_ =	shalt  }
0x7d: {  	_ =	shalt  }
0x7e: {  	_ =	shalt  }
0x7f: {  	_ =	shalt  }
0x80: {  	_ =	shalt  }
0x81: {  	_ =	shalt  }
0x82: {  	_ =	shalt  }
0x83: {  	_ =	shalt  }
0x84: {  	_ =	shalt  }
0x85: {  	_ =	shalt  }
0x86: {  	_ =	shalt  }
0x87: {  	_ =	shalt  }
.Lfunc_end0:
.L_simem_size_0:
called_computation.1_lowered:
.L_overlay_start_0:
0x88: {  	s2 =	sld [smem:$0x3FD9]  }
0x89: {  	s3 =	sld [smem:$0x3FFE];
	_ =	sdelay $0x1  }
0x8a: {  	s1 =	srdreg.scid  }
0x8b: {  	s0 =	sand.u32 $0x1, s1  }
0x8c: {  	s17 =	sshll.u32 s0, $0xA;
	s2 =	sadd.s32 s3, s2  }
0x8d: {  	s2 =	sadd.s32 s2, s17  }
0x8e: {  	[smem:$0x3FBC] =	sst s2  }
0x8f: {  	_ = 	snop  }
0x90: {  	s2 =	sld [smem:$0x3FC9];
	(tm) =	ssettm $0x1  }
0x91: {  	s18 =	sld [smem:$0x3FFB];
	_ =	sdelay $0x3  }
0x92: {  	_ =	strace s18  }
0x93: {  	s3 =	sld [smem:$0x3FFC];
	_ =	sdelay $0x3  }
0x94: {  	_ =	strace s3  }
0x95: {  	s3 =	sld [smem:$0x3FFD];
	_ =	sdelay $0x3  }
0x96: {  	_ =	strace s3  }
0x97: {  	_ =	strace $0x8FFFFFFF  }
0x98: {  	s19 =	sld [smem:$0x3FDB];
	_ =	sdelay $0x1  }
0x99: {  	s4 =	simm.s32 $_scs_section_size  }
0x9a: {  	s5 =	simm.s32 $_size__tile_overlayer_lowered;
	s6 =	simm.s32 $_tile_overlayer_lowered  }
0x9b: {  	s22 =	simm.s32 $0x1BFF;
	s21 =	sshll.u32 s6, $0x1;
	s3 =	sadd.s32 s4, s19  }
0x9c: {  	s7 =	simm.s32 $0x0;
	s20 =	sshll.u32 s5, $0x1;
	s5 =	sadd.s32 s21, s3  }
0x9d: {  	[timem:s7], [sflag:s22] =	dma.local [hbm:s5], s20  }
0x9e: {  	_ =	swait.ge [sflag:s22], s20  }
0x9f: {  	s4 =	ssub.s32 $0x0, s20;
	[sflag:s22] =	ssyncset.done $0x0  }
0xa0: {  	[sflag:s22] =	ssyncadd.s32 s4;
	_ =	sdelay $0x1  }
0xa1: {  	s23 =	simm.s32 $0x1B8B  }
0xa2: {  	_ =	swait.ge [sflag:s23], $0x1  }
0xa3: {  	[sflag:s23] =	ssyncset.done $0x0  }
0xa4: {  	s25 =	simm.s32 $0x1B8E;
	s24 =	sld [smem:$0x3FFE];
	[sflag:s23] =	ssyncadd.s32 $0xFFFFFFFF  }
0xa5: {  	s26 =	simm.s32 $execute0_lowered;
	[smem:$0x3FD2] =	sst s25  }
0xa6: {  	s5 =	sshll.u32 s26, $0x1;
	_ =	strace $0x80000046;
	[dreg:$0x1] =	wrdreg $0xFFFFFFFF  }
0xa7: {  	s28 =	simm.s32 $_size_execute0_lowered;
	s3 =	sadd.s32 s3, s5;
	[dreg:$0x0] =	wrdreg $0x0  }
0xa8: {  	s5 =	sshll.u32 s28, $0x1;
	[dreg:$0x2] =	wrdreg s3  }
0xa9: {  	[dreg:$0x3] =	wrdreg s5  }
0xaa: {  	[dreg:$0x4] =	wrdreg $0xC0  }
0xab: {  	_ =	task [dreg:s7], $0x5FFFF  }
0xac: {  	[dreg:$0x1] =	wrdreg $0xFFFFFFFF  }
0xad: {  	[dreg:$0x0] =	wrdreg $0x60  }
0xae: {  	[dreg:$0x2] =	wrdreg s2  }
0xaf: {  	[dreg:$0x3] =	wrdreg s24  }
0xb0: {  	[dreg:$0x4] =	wrdreg $0xA8000  }
0xb1: {  	[dreg:$0x5] =	wrdreg $0xA  }
0xb2: {  	_ =	task.clear_ibuf [dreg:s7], $0x6FFFF;
	_ =	strace $0x90000046  }
0xb3: {  	s29 =	simm.s32 $0xA;
	_ =	strace $0x80000048  }
0xb4: {  	_ =	swait.ge [sflag:s29], $0x1  }
0xb5: {  	[sflag:s29] =	ssyncadd.s32 $0xFFFFFFFF  }
0xb6: {  	_ =	strace $0x90000048  }
0xb7: {  	_ =	sfence  }
0xb8: {  	s30 =	sld [smem:$0x0];
	_ =	sdelay $0x2  }
0xb9: {  	s31 =	sshll.u32 s1, $0xD;
	s1 =	sshrl.u32 s1, $0x2  }
0xba: {  	s3 =	sand.u32 $0x4000, s31;
	s1 =	sadd.s32 s1, s30  }
0xbb: {  	s0 =	sor.u32 s3, s0;
	s1 =	sshll.u32 s1, $0x11  }
0xbc: {  	s0 =	sor.u32 s1, s0  }
0xbd: {  	s0 =	sadd.s32 $0x8F2B, s0  }
0xbe: {  	[sflag:s0] =	ssyncadd.remote.s32 $0x1  }
0xbf: {  	_ =	sfence.sel $0xFFFF  }
0xc0: {  	[dreg:$0x0] =	wrdreg $0xFFFFFFFF;
	(pc) =	sbr.abs _section_cstart, $3  }
0xc1: {  	[dreg:$0x1] =	wrdreg $0xFFFFFFFF  }
0xc2: {  	_ =	task.clear_ibuf [dreg:s7], $0x2FFFF;
	_ =	strace $0x9FFFFFFF  }
0xc3: {  	(tm) =	ssettm $0x7FFFFFFF  }
tec
execute0_lowered:
.L_overlay_start_1:
0x0: {  	(tag) =	ssettag $0x1  }
0x1: {  	s0 =	rddreg [dreg:$0x0]  }
0x2: {  	s5 =	rddreg [dreg:$0x1];
	s1 =	srdreg.scid  }
0x3: {  	s3 =	rddreg [dreg:$0x2];
	s2 =	stileid.u32  }
0x4: {  	s4 =	simm.s32 $0x0;
	s17 =	simm.s32 $0x3;
	s18 =	simm.s32 $0x1400  }
0x5: {  	s19 =	simm.s32 $0x80;
	s20 =	simm.s32 $0x6800;
	s21 =	simm.s32 $0x1  }
0x6: {  	s22 =	simm.s32 $0x2;
	s23 =	simm.s32 $0x1380;
	s24 =	simm.s32 $0x2700  }
0x7: {  	s6 =	sand.u32 $0x1, s1;
	s1 =	rddreg [dreg:$0x3];
	s8 =	smul.u32 $0x14000, s2  }
0x8: {  	s25 =	simm.s32 $0x2780;
	[smem:$0x7FF] =	sst s4;
	s28 =	smul.u32 $0x50000, s2  }
0x9: {  	s14 =	sadd.s32 $0x2E00, s5;
	s15 =	sadd.s32 $0xCE00, s5;
	s7 =	smul.u32 $0x140000, s6  }
0xa: {  	_ =	strace $0x80000047;
	s29 =	ssub.s32 $0x2, s6;
	s9 =	sshll.u32 s6, $0x4  }
0xb: {  	s31 =	sshrl.u32 s29, $0x1;
	s9 =	sor.u32 s2, s9;
	s7 =	sadd.s32 s8, s7  }
0xc: {  	s11 =	ssub.s32 s29, s31;
	s16 =	smul.u32 $0x500, s9;
	s7 =	sshrl.u32 s7, $0x3  }
0xd: {  	s30 =	sshrl.u32 s28, $0x2;
	s11 =	smax.u32 s11, $0x1;
	s10 =	sadd.s32 s7, s5  }
0xe: {  	s5 =	sadd.s32 s30, s3;
	s12 =	sadd.s32 s14, s16;
	s13 =	sadd.s32 s15, s16  }
0xf: {  	s16 =	sadd.s32 $0x280, s16;
	s6 =	sadd.s32 $0x4000, s5;
	s7 =	sadd.s32 $0x8000, s5  }
0x10: {  	s8 =	sadd.s32 $0xC000, s5;
	s9 =	sadd.s32 $0x10000, s5;
	s10 =	sadd.s32 $0x16E00, s10  }
0x11: {  	v0 =	vimm.f32 $0.0e+00;
	s14 =	sadd.s32 s14, s16;
	s15 =	sadd.s32 s15, s16;
	s16 =	simm.s32 $0x2800  }
.LBB2_1:
0x12: {  	s26 =	simm.s32 $0x0;
	s28 =	simm.s32 $0x200  }
.LBB2_2:
0x13: {  	p0 =	sne.s32 s28, $0xFE00;
	[tilespmem:s26+$0x2870] =	vst v0  }
0x14: {  	[tilespmem:s26+$0x2800] =	vst v0  }
0x15: {  	[tilespmem:s26+$0x2810] =	vst v0  }
.Ltmp0:
0x16: {  	[tilespmem:s26+$0x2820] =	vst v0;
	(pc) =	sbr.rel @p0 .LBB2_2-.Ltmp0, $4  }
0x17: {  	[tilespmem:s26+$0x2830] =	vst v0  }
0x18: {  	[tilespmem:s26+$0x2840] =	vst v0  }
0x19: {  	[tilespmem:s26+$0x2850] =	vst v0  }
0x1a: {  	[tilespmem:s26+$0x2860] =	vst v0;
	s26 =	sshra.s32 s28, $0x2;
	s28 =	sadd.s32 $0x200, s28  }
0x1b: {  	[tilespmem:s26+$0x2870] =	vst v0  }
0x1c: {  	[tilespmem:s26+$0x2800] =	vst v0  }
0x1d: {  	[tilespmem:s26+$0x2810] =	vst v0  }
0x1e: {  	[tilespmem:s26+$0x2820] =	vst v0  }
0x1f: {  	[tilespmem:s26+$0x2830] =	vst v0  }
0x20: {  	[tilespmem:s26+$0x2840] =	vst v0  }
0x21: {  	[tilespmem:s26+$0x2850] =	vst v0  }
0x22: {  	[tilespmem:s26+$0x2860] =	vst v0  }
0x23: {  	[spmem:s5] =	stream.linear.scatter [tilespmem:s16], [sflag:$0x3], $0x4000, $0x38;
	[tilespmem:$0x1E800] =	vst v63  }
0x24: {  	_ =	swait.ge [sflag:s17], $0x4000  }
0x25: {  	[sflag:s17] =	ssyncset.done $0x0  }
0x26: {  	[sflag:s17] =	ssyncadd.s32 $0xFFFFC000  }
0x27: {  	[spmem:s6] =	stream.linear.scatter [tilespmem:s16], [sflag:$0x3], $0x4000, $0x38;
	[tilespmem:$0x1E800] =	vst v63  }
0x28: {  	_ =	swait.ge [sflag:s17], $0x4000  }
0x29: {  	[sflag:s17] =	ssyncset.done $0x0  }
0x2a: {  	[sflag:s17] =	ssyncadd.s32 $0xFFFFC000  }
0x2b: {  	[spmem:s7] =	stream.linear.scatter [tilespmem:s16], [sflag:$0x3], $0x4000, $0x38;
	[tilespmem:$0x1E800] =	vst v63  }
0x2c: {  	_ =	swait.ge [sflag:s17], $0x4000  }
0x2d: {  	[sflag:s17] =	ssyncset.done $0x0  }
0x2e: {  	[sflag:s17] =	ssyncadd.s32 $0xFFFFC000  }
0x2f: {  	[spmem:s8] =	stream.linear.scatter [tilespmem:s16], [sflag:$0x3], $0x4000, $0x38;
	[tilespmem:$0x1E800] =	vst v63  }
0x30: {  	_ =	swait.ge [sflag:s17], $0x4000  }
0x31: {  	[sflag:s17] =	ssyncset.done $0x0  }
0x32: {  	[sflag:s17] =	ssyncadd.s32 $0xFFFFC000  }
0x33: {  	[spmem:s9] =	stream.linear.scatter [tilespmem:s16], [sflag:$0x3], $0x4000, $0x38;
	[tilespmem:$0x1E800] =	vst v63  }
0x34: {  	_ =	swait.ge [sflag:s17], $0x4000  }
0x35: {  	[sflag:s17] =	ssyncset.done $0x0  }
0x36: {  	[sflag:s17] =	ssyncadd.s32 $0xFFFFC000  }
0x37: {  	s30 =	simm.s32 $0x0;
	[bflag:$0x0] =	sbarrier.arrive $0xFFFF  }
0x38: {  	[tilespmem:s30], [sflag:$0x3] =	stream.linear.gather [hbm4b:s12+s30], $0x1400, $0x38;
	[tilespmem:$0x1E800] =	vst v63  }
0x39: {  	_ =	swait.ge [sflag:s17], $0x1400  }
0x3a: {  	[sflag:s17] =	ssyncset.done $0x0  }
0x3b: {  	[sflag:s17] =	ssyncadd.s32 $0xFFFFEC00  }
0x3c: {  	[tilespmem:s18], [sflag:$0x3] =	stream.linear.gather [hbm4b:s13+s30], $0x1400, $0x38;
	[tilespmem:$0x1E800] =	vst v63  }
0x3d: {  	_ =	swait.ge [sflag:s17], $0x1400  }
0x3e: {  	[sflag:s17] =	ssyncset.done $0x0  }
0x3f: {  	[sflag:s17] =	ssyncadd.s32 $0xFFFFEC00  }
0x40: {  	[tilespmem:s16], [sflag:$0x1] =	stream.indirect.gather [hbm4b:s0+s19], $0x80, s30, s19, $0xb8;
	[tilespmem:$0x1E800] =	vst v63  }
0x41: {  	s31 =	simm.s32 $0x80  }
0x42: {  	[tilespmem:s20], [sflag:$0x2] =	stream.indirect.gather [hbm4b:s0+s19], $0x80, s31, s19, $0xb8;
	[tilespmem:$0x1E800] =	vst v63  }
0x43: {  	_ =	swait.ge [sflag:s21], $0x4000  }
0x44: {  	[sflag:s21] =	ssyncset.done $0x0  }
0x45: {  	s29 =	simm.s32 $0x1400;
	[sflag:s21] =	ssyncadd.s32 $0xFFFFC000  }
0x46: {  	[spmem:s3] =	stream.indirect.scatter.add.f32 [tilespmem:s16], [sflag:$0x3], $0x80, s29, s19, $0xb8;
	[tilespmem:$0x1E800] =	vst v63  }
0x47: {  	_ =	swait.ge [sflag:s17], $0x4000  }
0x48: {  	[sflag:s17] =	ssyncset.done $0x0  }
0x49: {  	s30 =	simm.s32 $0x100;
	[sflag:s17] =	ssyncadd.s32 $0xFFFFC000  }
0x4a: {  	[tilespmem:s16], [sflag:$0x1] =	stream.indirect.gather [hbm4b:s0+s19], $0x80, s30, s19, $0xb8;
	[tilespmem:$0x1E800] =	vst v63  }
0x4b: {  	_ =	swait.ge [sflag:s22], $0x4000  }
0x4c: {  	[sflag:s22] =	ssyncset.done $0x0  }
0x4d: {  	s31 =	simm.s32 $0x1480;
	[sflag:s22] =	ssyncadd.s32 $0xFFFFC000  }
0x4e: {  	[spmem:s3] =	stream.indirect.scatter.add.f32 [tilespmem:s20], [sflag:$0x3], $0x80, s31, s19, $0xb8;
	[tilespmem:$0x1E800] =	vst v63  }
0x4f: {  	_ =	swait.ge [sflag:s17], $0x4000  }
0x50: {  	s28 =	simm.s32 $0x800;
	s26 =	simm.s32 $0x100;
	[sflag:s17] =	ssyncset.done $0x0  }
.LBB2_4:
0x51: {  	s29 =	sadd.s32 $0x80, s26  }
0x52: {  	[sflag:s17] =	ssyncadd.s32 $0xFFFFC000;
	s30 =	smov.u32 s28;
	s31 =	sadd.s32 $0x400, s28  }
0x53: {  	[tilespmem:s20], [sflag:$0x2] =	stream.indirect.gather [hbm4b:s0+s19], $0x80, s29, s19, $0xb8;
	[tilespmem:$0x1E800] =	vst v63  }
0x54: {  	p0 =	sne.s32 s28, $0x4800;
	_ =	swait.ge [sflag:s21], $0x4000  }
0x55: {  	[sflag:s21] =	ssyncset.done $0x0  }
0x56: {  	s28 =	sadd.s32 $0x1400, s26;
	[sflag:s21] =	ssyncadd.s32 $0xFFFFC000  }
0x57: {  	[spmem:s3] =	stream.indirect.scatter.add.f32 [tilespmem:s16], [sflag:$0x3], $0x80, s28, s19, $0xb8;
	[tilespmem:$0x1E800] =	vst v63  }
0x58: {  	_ =	swait.ge [sflag:s17], $0x4000  }
0x59: {  	[sflag:s17] =	ssyncset.done $0x0  }
0x5a: {  	s28 =	sadd.s32 $0x100, s26;
	[sflag:s17] =	ssyncadd.s32 $0xFFFFC000  }
0x5b: {  	[tilespmem:s16], [sflag:$0x1] =	stream.indirect.gather [hbm4b:s0+s19], $0x80, s28, s19, $0xb8;
	[tilespmem:$0x1E800] =	vst v63  }
0x5c: {  	_ =	swait.ge [sflag:s22], $0x4000  }
.Ltmp1:
0x5d: {  	[sflag:s22] =	ssyncset.done $0x0;
	(pc) =	sbr.rel @p0 .LBB2_4-.Ltmp1, $4  }
0x5e: {  	s26 =	sadd.s32 $0x1480, s26;
	[sflag:s22] =	ssyncadd.s32 $0xFFFFC000  }
0x5f: {  	[spmem:s3] =	stream.indirect.scatter.add.f32 [tilespmem:s20], [sflag:$0x3], $0x80, s26, s19, $0xb8;
	[tilespmem:$0x1E800] =	vst v63  }
0x60: {  	_ =	swait.ge [sflag:s17], $0x4000  }
0x61: {  	s28 =	smov.u32 s31;
	s26 =	sshra.s32 s30, $0x2;
	[sflag:s17] =	ssyncset.done $0x0  }
0x62: {  	s28 =	sadd.s32 $0x80, s26;
	[sflag:s17] =	ssyncadd.s32 $0xFFFFC000  }
0x63: {  	[tilespmem:s20], [sflag:$0x2] =	stream.indirect.gather [hbm4b:s0+s19], $0x80, s28, s19, $0xb8;
	[tilespmem:$0x1E800] =	vst v63  }
0x64: {  	_ =	swait.ge [sflag:s21], $0x4000  }
0x65: {  	[sflag:s21] =	ssyncset.done $0x0  }
0x66: {  	s28 =	sadd.s32 $0x1400, s26;
	[sflag:s21] =	ssyncadd.s32 $0xFFFFC000  }
0x67: {  	[spmem:s3] =	stream.indirect.scatter.add.f32 [tilespmem:s16], [sflag:$0x3], $0x80, s28, s19, $0xb8;
	[tilespmem:$0x1E800] =	vst v63  }
0x68: {  	_ =	swait.ge [sflag:s17], $0x4000  }
0x69: {  	[sflag:s17] =	ssyncset.done $0x0  }
0x6a: {  	s28 =	sadd.s32 $0x100, s26;
	[sflag:s17] =	ssyncadd.s32 $0xFFFFC000  }
0x6b: {  	[tilespmem:s16], [sflag:$0x1] =	stream.indirect.gather [hbm4b:s0+s19], $0x80, s28, s19, $0xb8;
	[tilespmem:$0x1E800] =	vst v63  }
0x6c: {  	_ =	swait.ge [sflag:s22], $0x4000  }
0x6d: {  	[sflag:s22] =	ssyncset.done $0x0  }
0x6e: {  	s29 =	sadd.s32 $0x1480, s26;
	[sflag:s22] =	ssyncadd.s32 $0xFFFFC000  }
0x6f: {  	[spmem:s3] =	stream.indirect.scatter.add.f32 [tilespmem:s20], [sflag:$0x3], $0x80, s29, s19, $0xb8;
	[tilespmem:$0x1E800] =	vst v63  }
0x70: {  	_ =	swait.ge [sflag:s17], $0x4000  }
0x71: {  	[sflag:s17] =	ssyncset.done $0x0  }
0x72: {  	[sflag:s17] =	ssyncadd.s32 $0xFFFFC000  }
0x73: {  	[tilespmem:s20], [sflag:$0x2] =	stream.indirect.gather [hbm4b:s0+s19], $0x80, s23, s19, $0xb8;
	[tilespmem:$0x1E800] =	vst v63  }
0x74: {  	_ =	swait.ge [sflag:s21], $0x4000  }
0x75: {  	[sflag:s21] =	ssyncset.done $0x0  }
0x76: {  	[sflag:s21] =	ssyncadd.s32 $0xFFFFC000  }
0x77: {  	[spmem:s3] =	stream.indirect.scatter.add.f32 [tilespmem:s16], [sflag:$0x3], $0x80, s24, s19, $0xb8;
	[tilespmem:$0x1E800] =	vst v63  }
0x78: {  	_ =	swait.ge [sflag:s17], $0x4000  }
0x79: {  	[sflag:s17] =	ssyncset.done $0x0  }
0x7a: {  	[sflag:s17] =	ssyncadd.s32 $0xFFFFC000  }
0x7b: {  	_ =	swait.ge [sflag:s22], $0x4000  }
0x7c: {  	[sflag:s22] =	ssyncset.done $0x0  }
0x7d: {  	[sflag:s22] =	ssyncadd.s32 $0xFFFFC000  }
0x7e: {  	[spmem:s3] =	stream.indirect.scatter.add.f32 [tilespmem:s20], [sflag:$0x3], $0x80, s25, s19, $0xb8;
	[tilespmem:$0x1E800] =	vst v63  }
0x7f: {  	_ =	swait.ge [sflag:s17], $0x4000  }
0x80: {  	[sflag:s17] =	ssyncset.done $0x0  }
0x81: {  	s30 =	simm.s32 $0x0;
	[sflag:s17] =	ssyncadd.s32 $0xFFFFC000  }
0x82: {  	[tilespmem:s30], [sflag:$0x3] =	stream.linear.gather [hbm4b:s14+s30], $0x1400, $0x38;
	[tilespmem:$0x1E800] =	vst v63  }
0x83: {  	_ =	swait.ge [sflag:s17], $0x1400  }
0x84: {  	[sflag:s17] =	ssyncset.done $0x0  }
0x85: {  	[sflag:s17] =	ssyncadd.s32 $0xFFFFEC00  }
0x86: {  	[tilespmem:s18], [sflag:$0x3] =	stream.linear.gather [hbm4b:s15+s30], $0x1400, $0x38;
	[tilespmem:$0x1E800] =	vst v63  }
0x87: {  	_ =	swait.ge [sflag:s17], $0x1400  }
0x88: {  	[sflag:s17] =	ssyncset.done $0x0  }
0x89: {  	[sflag:s17] =	ssyncadd.s32 $0xFFFFEC00  }
0x8a: {  	[tilespmem:s16], [sflag:$0x1] =	stream.indirect.gather [hbm4b:s0+s19], $0x80, s30, s19, $0xb8;
	[tilespmem:$0x1E800] =	vst v63  }
0x8b: {  	s31 =	simm.s32 $0x80  }
0x8c: {  	[tilespmem:s20], [sflag:$0x2] =	stream.indirect.gather [hbm4b:s0+s19], $0x80, s31, s19, $0xb8;
	[tilespmem:$0x1E800] =	vst v63  }
0x8d: {  	_ =	swait.ge [sflag:s21], $0x4000  }
0x8e: {  	[sflag:s21] =	ssyncset.done $0x0  }
0x8f: {  	s29 =	simm.s32 $0x1400;
	[sflag:s21] =	ssyncadd.s32 $0xFFFFC000  }
0x90: {  	[spmem:s3] =	stream.indirect.scatter.add.f32 [tilespmem:s16], [sflag:$0x3], $0x80, s29, s19, $0xb8;
	[tilespmem:$0x1E800] =	vst v63  }
0x91: {  	_ =	swait.ge [sflag:s17], $0x4000  }
0x92: {  	[sflag:s17] =	ssyncset.done $0x0  }
0x93: {  	s30 =	simm.s32 $0x100;
	[sflag:s17] =	ssyncadd.s32 $0xFFFFC000  }
0x94: {  	[tilespmem:s16], [sflag:$0x1] =	stream.indirect.gather [hbm4b:s0+s19], $0x80, s30, s19, $0xb8;
	[tilespmem:$0x1E800] =	vst v63  }
0x95: {  	_ =	swait.ge [sflag:s22], $0x4000  }
0x96: {  	[sflag:s22] =	ssyncset.done $0x0  }
0x97: {  	s31 =	simm.s32 $0x1480;
	[sflag:s22] =	ssyncadd.s32 $0xFFFFC000  }
0x98: {  	[spmem:s3] =	stream.indirect.scatter.add.f32 [tilespmem:s20], [sflag:$0x3], $0x80, s31, s19, $0xb8;
	[tilespmem:$0x1E800] =	vst v63  }
0x99: {  	_ =	swait.ge [sflag:s17], $0x4000  }
0x9a: {  	s26 =	simm.s32 $0x100;
	s28 =	simm.s32 $0x800;
	[sflag:s17] =	ssyncset.done $0x0  }
.LBB2_6:
0x9b: {  	s29 =	sadd.s32 $0x80, s26  }
0x9c: {  	[sflag:s17] =	ssyncadd.s32 $0xFFFFC000;
	s30 =	smov.u32 s28;
	s31 =	sadd.s32 $0x400, s28  }
0x9d: {  	[tilespmem:s20], [sflag:$0x2] =	stream.indirect.gather [hbm4b:s0+s19], $0x80, s29, s19, $0xb8;
	[tilespmem:$0x1E800] =	vst v63  }
0x9e: {  	p0 =	sne.s32 s28, $0x4800;
	_ =	swait.ge [sflag:s21], $0x4000  }
0x9f: {  	[sflag:s21] =	ssyncset.done $0x0  }
0xa0: {  	s28 =	sadd.s32 $0x1400, s26;
	[sflag:s21] =	ssyncadd.s32 $0xFFFFC000  }
0xa1: {  	[spmem:s3] =	stream.indirect.scatter.add.f32 [tilespmem:s16], [sflag:$0x3], $0x80, s28, s19, $0xb8;
	[tilespmem:$0x1E800] =	vst v63  }
0xa2: {  	_ =	swait.ge [sflag:s17], $0x4000  }
0xa3: {  	[sflag:s17] =	ssyncset.done $0x0  }
0xa4: {  	s28 =	sadd.s32 $0x100, s26;
	[sflag:s17] =	ssyncadd.s32 $0xFFFFC000  }
0xa5: {  	[tilespmem:s16], [sflag:$0x1] =	stream.indirect.gather [hbm4b:s0+s19], $0x80, s28, s19, $0xb8;
	[tilespmem:$0x1E800] =	vst v63  }
0xa6: {  	_ =	swait.ge [sflag:s22], $0x4000  }
.Ltmp2:
0xa7: {  	[sflag:s22] =	ssyncset.done $0x0;
	(pc) =	sbr.rel @p0 .LBB2_6-.Ltmp2, $4  }
0xa8: {  	s26 =	sadd.s32 $0x1480, s26;
	[sflag:s22] =	ssyncadd.s32 $0xFFFFC000  }
0xa9: {  	[spmem:s3] =	stream.indirect.scatter.add.f32 [tilespmem:s20], [sflag:$0x3], $0x80, s26, s19, $0xb8;
	[tilespmem:$0x1E800] =	vst v63  }
0xaa: {  	_ =	swait.ge [sflag:s17], $0x4000  }
0xab: {  	s28 =	smov.u32 s31;
	s26 =	sshra.s32 s30, $0x2;
	[sflag:s17] =	ssyncset.done $0x0  }
0xac: {  	s28 =	sadd.s32 $0x80, s26;
	[sflag:s17] =	ssyncadd.s32 $0xFFFFC000  }
0xad: {  	[tilespmem:s20], [sflag:$0x2] =	stream.indirect.gather [hbm4b:s0+s19], $0x80, s28, s19, $0xb8;
	[tilespmem:$0x1E800] =	vst v63  }
0xae: {  	_ =	swait.ge [sflag:s21], $0x4000  }
0xaf: {  	[sflag:s21] =	ssyncset.done $0x0  }
0xb0: {  	s30 =	sadd.s32 $0x1400, s26;
	[sflag:s21] =	ssyncadd.s32 $0xFFFFC000  }
0xb1: {  	[spmem:s3] =	stream.indirect.scatter.add.f32 [tilespmem:s16], [sflag:$0x3], $0x80, s30, s19, $0xb8;
	[tilespmem:$0x1E800] =	vst v63  }
0xb2: {  	_ =	swait.ge [sflag:s17], $0x4000  }
0xb3: {  	[sflag:s17] =	ssyncset.done $0x0  }
0xb4: {  	s31 =	sadd.s32 $0x100, s26;
	[sflag:s17] =	ssyncadd.s32 $0xFFFFC000  }
0xb5: {  	[tilespmem:s16], [sflag:$0x1] =	stream.indirect.gather [hbm4b:s0+s19], $0x80, s31, s19, $0xb8;
	[tilespmem:$0x1E800] =	vst v63  }
0xb6: {  	_ =	swait.ge [sflag:s22], $0x4000  }
0xb7: {  	[sflag:s22] =	ssyncset.done $0x0  }
0xb8: {  	s29 =	sadd.s32 $0x1480, s26;
	[sflag:s22] =	ssyncadd.s32 $0xFFFFC000  }
0xb9: {  	[spmem:s3] =	stream.indirect.scatter.add.f32 [tilespmem:s20], [sflag:$0x3], $0x80, s29, s19, $0xb8;
	[tilespmem:$0x1E800] =	vst v63  }
0xba: {  	_ =	swait.ge [sflag:s17], $0x4000  }
0xbb: {  	[sflag:s17] =	ssyncset.done $0x0  }
0xbc: {  	[sflag:s17] =	ssyncadd.s32 $0xFFFFC000  }
0xbd: {  	[tilespmem:s20], [sflag:$0x2] =	stream.indirect.gather [hbm4b:s0+s19], $0x80, s23, s19, $0xb8;
	[tilespmem:$0x1E800] =	vst v63  }
0xbe: {  	_ =	swait.ge [sflag:s21], $0x4000  }
0xbf: {  	[sflag:s21] =	ssyncset.done $0x0  }
0xc0: {  	[sflag:s21] =	ssyncadd.s32 $0xFFFFC000  }
0xc1: {  	[spmem:s3] =	stream.indirect.scatter.add.f32 [tilespmem:s16], [sflag:$0x3], $0x80, s24, s19, $0xb8;
	[tilespmem:$0x1E800] =	vst v63  }
0xc2: {  	_ =	swait.ge [sflag:s17], $0x4000  }
0xc3: {  	[sflag:s17] =	ssyncset.done $0x0  }
0xc4: {  	[sflag:s17] =	ssyncadd.s32 $0xFFFFC000  }
0xc5: {  	_ =	swait.ge [sflag:s22], $0x4000  }
0xc6: {  	[sflag:s22] =	ssyncset.done $0x0  }
0xc7: {  	[sflag:s22] =	ssyncadd.s32 $0xFFFFC000  }
0xc8: {  	[spmem:s3] =	stream.indirect.scatter.add.f32 [tilespmem:s20], [sflag:$0x3], $0x80, s25, s19, $0xb8;
	[tilespmem:$0x1E800] =	vst v63  }
0xc9: {  	_ =	swait.ge [sflag:s17], $0x4000  }
0xca: {  	s4 =	sadd.s32 $0x1, s4;
	s30 =	sshll.u32 s2, $0x6;
	[sflag:s17] =	ssyncset.done $0x0  }
0xcb: {  	p0 =	sne.s32 s4, s11;
	s26 =	sor.u32 $0x1C03, s30;
	[sflag:s17] =	ssyncadd.s32 $0xFFFFC000  }
.Ltmp3:
0xcc: {  	s31 =	sshrl.u32 s5, $0x3;
	[bflag:$0x0] =	sbarrier.arrive $0xFFFF;
	(pc) =	sbr.rel @p0 .LBB2_1-.Ltmp3, $4  }
0xcd: {  	[hbm:s10], [sflag:s26] =	dma.local [spmem:s31], $0x2800  }
0xce: {  	_ =	swait.ge [sflag:s17], $0x2800  }
0xcf: {  	[sflag:s17] =	ssyncset.done $0x0  }
0xd0: {  	[sflag:s17] =	ssyncadd.s32 $0xFFFFD800  }
0xd1: {  	_ =	sfence.sel $0x180000  }
0xd2: {  	[bflag:$0x0] =	sbarrier.arrive $0xFFFF  }
0xd3: {  	p0 =	sne.s32 s2, $0x0;
	_ =	strace $0x90000047  }
0xd4: {  	s0 =	sadd.s32 @!p0 $0x100000, s1;
	[bflag:$0x2] =	sbarrier.arrive $0xFFFF  }
0xd5: {  	[sflag:s0] =	ssyncadd.tile.s32 @!p0 $0x1;
	_ =	shalt  }
.Lfunc_end2:
_tile_overlayer_lowered:
.L_overlay_start_2:
0xd6: {  	(tag) =	ssettag $0x2  }
0xd7: {  	s0 =	rddreg [dreg:$0x0];
	s2 =	stileid.u32  }
0xd8: {  	s1 =	rddreg [dreg:$0x1];
	p0 =	sne.s32 s2, $0x0  }
0xd9: {  	s3 =	rddreg [dreg:$0x2];
	[bflag:$0x3] =	sbarrier.arrive $0xFFFF;
	s2 =	simm.s32 @!p0 $0x1C03  }
0xda: {  	[timem:s3], [sflag:s2] =	dma.local @!p0 [hbm:s0], s1  }
0xdb: {  	s0 =	simm.s32 @!p0 $0x3  }
0xdc: {  	_ =	swait.ge @!p0 [sflag:s0], s1  }
0xdd: {  	s1 =	ssub.s32 @!p0 $0x0, s1;
	[sflag:s0] =	ssyncset.done @!p0 $0x0  }
0xde: {  	[sflag:s0] =	ssyncadd.s32 @!p0 s1  }
0xdf: {  	[bflag:$0x3] =	sbarrier.arrive $0xFFFF  }
0xe0: {  	_ =	shalt  }

// kernel: sage_agg_sc.7.cloned.1.call-start
scs
__scs_entry_jumppad:
0x0: {  	(pc) =	sbr.rel $0x88, $3  }
0x1: {  	(tag) =	ssettag $0x0;
	lr =	simm.s32 $0x1  }
0x2: {  	[smem:$0x3F95] =	sst lr;
	_ =	strace $0xD0000000  }
0x3: {  	_ = 	snop  }
0x4: {  	_ = 	snop  }
0x5: {  	_ = 	snop  }
0x6: {  	_ = 	snop  }
0x7: {  	_ = 	snop  }
__scs_overlays_trampoline_lowered:
0x8: {  	[smem:$0x3FA4] =	sst s0  }
0x9: {  	[smem:$0x3FA5] =	sst s1  }
0xa: {  	[smem:$0x3FA6] =	sst s2  }
0xb: {  	[smem:$0x3FA7] =	sst s3  }
0xc: {  	[smem:$0x3FA8] =	sst s4  }
0xd: {  	[smem:$0x3FA9] =	sst s5  }
0xe: {  	[smem:$0x3FAA] =	sst s6  }
0xf: {  	[smem:$0x3FAB] =	sst s7  }
0x10: {  	[smem:$0x3FAC] =	sst s8  }
0x11: {  	[smem:$0x3FAD] =	sst s9;
	s0 =	simm.s32 @!p0 $0x0  }
0x12: {  	s1 =	sld [smem:$0x3F93];
	s0 =	simm.s32 @p0 $0x1  }
0x13: {  	[smem:$0x3FAE] =	sst s0;
	s0 =	simm.s32 @!p1 $0x0  }
0x14: {  	s2 =	sld [smem:$0x3F92];
	s0 =	simm.s32 @p1 $0x1  }
0x15: {  	[smem:$0x3FAF] =	sst s0;
	s0 =	simm.s32 @!p2 $0x0  }
0x16: {  	s3 =	sld [smem:$0x3FDB];
	s0 =	simm.s32 @p2 $0x1  }
0x17: {  	s4 =	simm.s32 $0x1BF5;
	[smem:$0x3FB1] =	sst s0  }
0x18: {  	s0 =	sld [smem:$0x3F94];
	_ =	swait.ge [sflag:s4], $0x0  }
0x19: {  	s7 =	sld [smem:$0x3F95]  }
0x1a: {  	s8 =	sadd.s32 $0xFFFFE003, lr  }
0x1b: {  	s9 =	sadd.s32 $0xFFFFFEF7, lr;
	s5 =	simm.s32 $0xFFFFFFFF;
	p2 =	slt.u32 s8, $0xFFFFF086  }
0x1c: {  	p1 =	slt.u32 s9, $0xF7A;
	s5 =	simm.s32 @!p2 $0x0  }
0x1d: {  	s5 =	simm.s32 @p1 $0x1;
	p0 =	seq.s32 s7, s2  }
0x1e: {  	s7 =	smul.u32 @!p0 $0xF7A, s2;
	p2 =	seq.s32 @!p0 s5, $0x0  }
0x1f: {  	s9 =	smul.u32 $0xF7A, s1;
	s8 =	simm.s32 @!p0 $0x1BF5;
	p2 =	por !p2, p0  }
0x20: {  	[sflag:s8] =	ssyncset.s32 @!p0 $0xFFFFF086;
	s6 =	sadd.s32 @!p0 s3, s7;
	s7 =	simm.s32 @!p0 $0x108  }
0x21: {  	s3 =	sadd.s32 s3, s9;
	s6 =	sadd.s32 @!p0 $0x88, s6;
	s7 =	simm.s32 @p2 $0x1082  }
0x22: {  	[simem:s7], [sflag:s8] =	dma.local @!p0 [hbm:s6], $0xF7A  }
0x23: {  	s9 =	sor.u32 $0xD0000000, s2;
	s6 =	simm.s32 $0x108;
	_ =	swait.ge @!p0 [sflag:s8], $0x0  }
0x24: {  	s3 =	sadd.s32 $0x88, s3;
	s6 =	simm.s32 @!p1 $0x1082;
	[sflag:s4] =	ssyncset.s32 $0xFFFFF086  }
0x25: {  	[simem:s6], [sflag:s4] =	dma.local [hbm:s3], $0xF7A  }
0x26: {  	[smem:$0x3F95] =	sst s1;
	(tag) =	ssettag s2;
	_ =	strace s9  }
0x27: {  	s1 =	sld [smem:$0x3FA5]  }
0x28: {  	s2 =	sld [smem:$0x3FA6]  }
0x29: {  	s4 =	sld [smem:$0x3FA8]  }
0x2a: {  	p0 =	seq.s32 s5, $0x0;
	s5 =	sld [smem:$0x3FA9]  }
0x2b: {  	s6 =	sld [smem:$0x3FAA]  }
0x2c: {  	s7 =	sld [smem:$0x3FAB]  }
0x2d: {  	s3 =	simm.s32 $0x108;
	s8 =	sld [smem:$0x3FAC]  }
0x2e: {  	s3 =	simm.s32 @!p0 $0x1082;
	s9 =	sld [smem:$0x3FAD]  }
0x2f: {  	lr =	sadd.s32 s0, s3;
	s0 =	sld [smem:$0x3FA4]  }
0x30: {  	s3 =	sld [smem:$0x3FA7]  }
0x31: {  	[smem:$0x3FB0] =	sst s10  }
0x32: {  	s10 =	sld [smem:$0x3FAE];
	_ =	sdelay $0x3  }
0x33: {  	p0 =	seq.s32 s10, $0x1;
	s10 =	sld [smem:$0x3FB0];
	_ =	sdelay $0x3  }
0x34: {  	[smem:$0x3FB0] =	sst s10  }
0x35: {  	s10 =	sld [smem:$0x3FAF];
	_ =	sdelay $0x3  }
0x36: {  	p1 =	seq.s32 s10, $0x1;
	s10 =	sld [smem:$0x3FB0];
	_ =	sdelay $0x3  }
0x37: {  	[smem:$0x3FB0] =	sst s10  }
0x38: {  	s10 =	sld [smem:$0x3FB1]  }
0x39: {  	_ = 	snop;
	(pc) =	sbr.ind lr, $3  }
0x3a: {  	_ = 	snop  }
0x3b: {  	_ = 	snop  }
0x3c: {  	p2 =	seq.s32 s10, $0x1;
	s10 =	sld [smem:$0x3FB0]  }
0x3d: {  	_ =	shalt  }
0x3e: {  	_ =	shalt  }
0x3f: {  	_ =	shalt  }
0x40: {  	_ =	shalt  }
0x41: {  	_ =	shalt  }
0x42: {  	_ =	shalt  }
0x43: {  	_ =	shalt  }
0x44: {  	_ =	shalt  }
0x45: {  	_ =	shalt  }
0x46: {  	_ =	shalt  }
0x47: {  	_ =	shalt  }
0x48: {  	_ =	shalt  }
0x49: {  	_ =	shalt  }
0x4a: {  	_ =	shalt  }
0x4b: {  	_ =	shalt  }
0x4c: {  	_ =	shalt  }
0x4d: {  	_ =	shalt  }
0x4e: {  	_ =	shalt  }
0x4f: {  	_ =	shalt  }
0x50: {  	_ =	shalt  }
0x51: {  	_ =	shalt  }
0x52: {  	_ =	shalt  }
0x53: {  	_ =	shalt  }
0x54: {  	_ =	shalt  }
0x55: {  	_ =	shalt  }
0x56: {  	_ =	shalt  }
0x57: {  	_ =	shalt  }
0x58: {  	_ =	shalt  }
0x59: {  	_ =	shalt  }
0x5a: {  	_ =	shalt  }
0x5b: {  	_ =	shalt  }
0x5c: {  	_ =	shalt  }
0x5d: {  	_ =	shalt  }
0x5e: {  	_ =	shalt  }
0x5f: {  	_ =	shalt  }
0x60: {  	_ =	shalt  }
0x61: {  	_ =	shalt  }
0x62: {  	_ =	shalt  }
0x63: {  	_ =	shalt  }
0x64: {  	_ =	shalt  }
0x65: {  	_ =	shalt  }
0x66: {  	_ =	shalt  }
0x67: {  	_ =	shalt  }
0x68: {  	_ =	shalt  }
0x69: {  	_ =	shalt  }
0x6a: {  	_ =	shalt  }
0x6b: {  	_ =	shalt  }
0x6c: {  	_ =	shalt  }
0x6d: {  	_ =	shalt  }
0x6e: {  	_ =	shalt  }
0x6f: {  	_ =	shalt  }
0x70: {  	_ =	shalt  }
0x71: {  	_ =	shalt  }
0x72: {  	_ =	shalt  }
0x73: {  	_ =	shalt  }
0x74: {  	_ =	shalt  }
0x75: {  	_ =	shalt  }
0x76: {  	_ =	shalt  }
0x77: {  	_ =	shalt  }
0x78: {  	_ =	shalt  }
0x79: {  	_ =	shalt  }
0x7a: {  	_ =	shalt  }
0x7b: {  	_ =	shalt  }
0x7c: {  	_ =	shalt  }
0x7d: {  	_ =	shalt  }
0x7e: {  	_ =	shalt  }
0x7f: {  	_ =	shalt  }
0x80: {  	_ =	shalt  }
0x81: {  	_ =	shalt  }
0x82: {  	_ =	shalt  }
0x83: {  	_ =	shalt  }
0x84: {  	_ =	shalt  }
0x85: {  	_ =	shalt  }
0x86: {  	_ =	shalt  }
0x87: {  	_ =	shalt  }
.Lfunc_end0:
.L_simem_size_0:
called_computation.2_lowered:
.L_overlay_start_0:
0x88: {  	s2 =	sld [smem:$0x3FD9]  }
0x89: {  	s3 =	sld [smem:$0x3FFE];
	_ =	sdelay $0x1  }
0x8a: {  	s1 =	srdreg.scid  }
0x8b: {  	s0 =	sand.u32 $0x1, s1  }
0x8c: {  	s17 =	sshll.u32 s0, $0xA;
	s2 =	sadd.s32 s3, s2  }
0x8d: {  	s2 =	sadd.s32 s2, s17  }
0x8e: {  	[smem:$0x3FBC] =	sst s2  }
0x8f: {  	_ = 	snop  }
0x90: {  	s2 =	sld [smem:$0x3FD0];
	(tm) =	ssettm $0x1  }
0x91: {  	s18 =	sld [smem:$0x3FFB];
	_ =	sdelay $0x3  }
0x92: {  	_ =	strace s18  }
0x93: {  	s3 =	sld [smem:$0x3FFC];
	_ =	sdelay $0x3  }
0x94: {  	_ =	strace s3  }
0x95: {  	s3 =	sld [smem:$0x3FFD];
	_ =	sdelay $0x3  }
0x96: {  	_ =	strace s3  }
0x97: {  	_ =	strace $0x8FFFFFFF  }
0x98: {  	s19 =	sld [smem:$0x3FDB];
	_ =	sdelay $0x1  }
0x99: {  	s4 =	simm.s32 $_scs_section_size  }
0x9a: {  	s5 =	simm.s32 $_size__tile_overlayer_lowered;
	s6 =	simm.s32 $_tile_overlayer_lowered  }
0x9b: {  	s22 =	simm.s32 $0x1BFF;
	s21 =	sshll.u32 s6, $0x1;
	s3 =	sadd.s32 s4, s19  }
0x9c: {  	s7 =	simm.s32 $0x0;
	s20 =	sshll.u32 s5, $0x1;
	s5 =	sadd.s32 s21, s3  }
0x9d: {  	[timem:s7], [sflag:s22] =	dma.local [hbm:s5], s20  }
0x9e: {  	_ =	swait.ge [sflag:s22], s20  }
0x9f: {  	s4 =	ssub.s32 $0x0, s20;
	[sflag:s22] =	ssyncset.done $0x0  }
0xa0: {  	[sflag:s22] =	ssyncadd.s32 s4;
	_ =	sdelay $0x1  }
0xa1: {  	s23 =	simm.s32 $0x1B8B  }
0xa2: {  	_ =	swait.ge [sflag:s23], $0x1  }
0xa3: {  	[sflag:s23] =	ssyncset.done $0x0  }
0xa4: {  	s25 =	simm.s32 $0x1B8E;
	s24 =	sld [smem:$0x3FFE];
	[sflag:s23] =	ssyncadd.s32 $0xFFFFFFFF  }
0xa5: {  	s26 =	simm.s32 $execute0_lowered;
	[smem:$0x3FD2] =	sst s25  }
0xa6: {  	s5 =	sshll.u32 s26, $0x1;
	_ =	strace $0x8000004C;
	[dreg:$0x1] =	wrdreg $0xFFFFFFFF  }
0xa7: {  	s28 =	simm.s32 $_size_execute0_lowered;
	s3 =	sadd.s32 s3, s5;
	[dreg:$0x0] =	wrdreg $0x0  }
0xa8: {  	s5 =	sshll.u32 s28, $0x1;
	[dreg:$0x2] =	wrdreg s3  }
0xa9: {  	[dreg:$0x3] =	wrdreg s5  }
0xaa: {  	[dreg:$0x4] =	wrdreg $0xC0  }
0xab: {  	_ =	task [dreg:s7], $0x5FFFF  }
0xac: {  	[dreg:$0x1] =	wrdreg $0xFFFFFFFF  }
0xad: {  	[dreg:$0x0] =	wrdreg $0x60  }
0xae: {  	[dreg:$0x2] =	wrdreg s2  }
0xaf: {  	[dreg:$0x3] =	wrdreg s24  }
0xb0: {  	[dreg:$0x4] =	wrdreg $0xA8000  }
0xb1: {  	[dreg:$0x5] =	wrdreg $0x9  }
0xb2: {  	_ =	task.clear_ibuf [dreg:s7], $0x6FFFF;
	_ =	strace $0x9000004C  }
0xb3: {  	s29 =	simm.s32 $0x9;
	_ =	strace $0x8000004E  }
0xb4: {  	_ =	swait.ge [sflag:s29], $0x1  }
0xb5: {  	[sflag:s29] =	ssyncadd.s32 $0xFFFFFFFF  }
0xb6: {  	_ =	strace $0x9000004E  }
0xb7: {  	_ =	sfence  }
0xb8: {  	s30 =	sld [smem:$0x0];
	_ =	sdelay $0x2  }
0xb9: {  	s31 =	sshll.u32 s1, $0xD;
	s1 =	sshrl.u32 s1, $0x2  }
0xba: {  	s3 =	sand.u32 $0x4000, s31;
	s1 =	sadd.s32 s1, s30  }
0xbb: {  	s0 =	sor.u32 s3, s0;
	s1 =	sshll.u32 s1, $0x11  }
0xbc: {  	s0 =	sor.u32 s1, s0  }
0xbd: {  	s0 =	sadd.s32 $0x8F2B, s0  }
0xbe: {  	[sflag:s0] =	ssyncadd.remote.s32 $0x1  }
0xbf: {  	_ =	sfence.sel $0xFFFF  }
0xc0: {  	[dreg:$0x0] =	wrdreg $0xFFFFFFFF;
	(pc) =	sbr.abs _section_cstart, $3  }
0xc1: {  	[dreg:$0x1] =	wrdreg $0xFFFFFFFF  }
0xc2: {  	_ =	task.clear_ibuf [dreg:s7], $0x2FFFF;
	_ =	strace $0x9FFFFFFF  }
0xc3: {  	(tm) =	ssettm $0x7FFFFFFF  }
tec
execute0_lowered:
.L_overlay_start_1:
0x0: {  	(tag) =	ssettag $0x1  }
0x1: {  	s0 =	rddreg [dreg:$0x0]  }
0x2: {  	s5 =	rddreg [dreg:$0x1];
	s1 =	srdreg.scid  }
0x3: {  	s3 =	rddreg [dreg:$0x2];
	s2 =	stileid.u32  }
0x4: {  	s4 =	simm.s32 $0x0;
	s17 =	simm.s32 $0x3;
	s18 =	simm.s32 $0x1400  }
0x5: {  	s19 =	simm.s32 $0x80;
	s20 =	simm.s32 $0x6800;
	s21 =	simm.s32 $0x1  }
0x6: {  	s22 =	simm.s32 $0x2;
	s23 =	simm.s32 $0x1380;
	s24 =	simm.s32 $0x2700  }
0x7: {  	s6 =	sand.u32 $0x1, s1;
	s1 =	rddreg [dreg:$0x3];
	s8 =	smul.u32 $0x14000, s2  }
0x8: {  	s25 =	simm.s32 $0x2780;
	[smem:$0x7FF] =	sst s4;
	s28 =	smul.u32 $0x50000, s2  }
0x9: {  	s14 =	sadd.s32 $0x2E00, s5;
	s15 =	sadd.s32 $0xCE00, s5;
	s7 =	smul.u32 $0x140000, s6  }
0xa: {  	_ =	strace $0x8000004D;
	s29 =	ssub.s32 $0x2, s6;
	s9 =	sshll.u32 s6, $0x4  }
0xb: {  	s31 =	sshrl.u32 s29, $0x1;
	s9 =	sor.u32 s2, s9;
	s7 =	sadd.s32 s8, s7  }
0xc: {  	s11 =	ssub.s32 s29, s31;
	s16 =	smul.u32 $0x500, s9;
	s7 =	sshrl.u32 s7, $0x3  }
0xd: {  	s30 =	sshrl.u32 s28, $0x2;
	s11 =	smax.u32 s11, $0x1;
	s10 =	sadd.s32 s7, s5  }
0xe: {  	s5 =	sadd.s32 s30, s3;
	s12 =	sadd.s32 s14, s16;
	s13 =	sadd.s32 s15, s16  }
0xf: {  	s16 =	sadd.s32 $0x280, s16;
	s6 =	sadd.s32 $0x4000, s5;
	s7 =	sadd.s32 $0x8000, s5  }
0x10: {  	s8 =	sadd.s32 $0xC000, s5;
	s9 =	sadd.s32 $0x10000, s5;
	s10 =	sadd.s32 $0x16E00, s10  }
0x11: {  	v0 =	vimm.f32 $0.0e+00;
	s14 =	sadd.s32 s14, s16;
	s15 =	sadd.s32 s15, s16;
	s16 =	simm.s32 $0x2800  }
.LBB2_1:
0x12: {  	s26 =	simm.s32 $0x0;
	s28 =	simm.s32 $0x200  }
.LBB2_2:
0x13: {  	p0 =	sne.s32 s28, $0xFE00;
	[tilespmem:s26+$0x2870] =	vst v0  }
0x14: {  	[tilespmem:s26+$0x2800] =	vst v0  }
0x15: {  	[tilespmem:s26+$0x2810] =	vst v0  }
.Ltmp0:
0x16: {  	[tilespmem:s26+$0x2820] =	vst v0;
	(pc) =	sbr.rel @p0 .LBB2_2-.Ltmp0, $4  }
0x17: {  	[tilespmem:s26+$0x2830] =	vst v0  }
0x18: {  	[tilespmem:s26+$0x2840] =	vst v0  }
0x19: {  	[tilespmem:s26+$0x2850] =	vst v0  }
0x1a: {  	[tilespmem:s26+$0x2860] =	vst v0;
	s26 =	sshra.s32 s28, $0x2;
	s28 =	sadd.s32 $0x200, s28  }
0x1b: {  	[tilespmem:s26+$0x2870] =	vst v0  }
0x1c: {  	[tilespmem:s26+$0x2800] =	vst v0  }
0x1d: {  	[tilespmem:s26+$0x2810] =	vst v0  }
0x1e: {  	[tilespmem:s26+$0x2820] =	vst v0  }
0x1f: {  	[tilespmem:s26+$0x2830] =	vst v0  }
0x20: {  	[tilespmem:s26+$0x2840] =	vst v0  }
0x21: {  	[tilespmem:s26+$0x2850] =	vst v0  }
0x22: {  	[tilespmem:s26+$0x2860] =	vst v0  }
0x23: {  	[spmem:s5] =	stream.linear.scatter [tilespmem:s16], [sflag:$0x3], $0x4000, $0x38;
	[tilespmem:$0x1E800] =	vst v63  }
0x24: {  	_ =	swait.ge [sflag:s17], $0x4000  }
0x25: {  	[sflag:s17] =	ssyncset.done $0x0  }
0x26: {  	[sflag:s17] =	ssyncadd.s32 $0xFFFFC000  }
0x27: {  	[spmem:s6] =	stream.linear.scatter [tilespmem:s16], [sflag:$0x3], $0x4000, $0x38;
	[tilespmem:$0x1E800] =	vst v63  }
0x28: {  	_ =	swait.ge [sflag:s17], $0x4000  }
0x29: {  	[sflag:s17] =	ssyncset.done $0x0  }
0x2a: {  	[sflag:s17] =	ssyncadd.s32 $0xFFFFC000  }
0x2b: {  	[spmem:s7] =	stream.linear.scatter [tilespmem:s16], [sflag:$0x3], $0x4000, $0x38;
	[tilespmem:$0x1E800] =	vst v63  }
0x2c: {  	_ =	swait.ge [sflag:s17], $0x4000  }
0x2d: {  	[sflag:s17] =	ssyncset.done $0x0  }
0x2e: {  	[sflag:s17] =	ssyncadd.s32 $0xFFFFC000  }
0x2f: {  	[spmem:s8] =	stream.linear.scatter [tilespmem:s16], [sflag:$0x3], $0x4000, $0x38;
	[tilespmem:$0x1E800] =	vst v63  }
0x30: {  	_ =	swait.ge [sflag:s17], $0x4000  }
0x31: {  	[sflag:s17] =	ssyncset.done $0x0  }
0x32: {  	[sflag:s17] =	ssyncadd.s32 $0xFFFFC000  }
0x33: {  	[spmem:s9] =	stream.linear.scatter [tilespmem:s16], [sflag:$0x3], $0x4000, $0x38;
	[tilespmem:$0x1E800] =	vst v63  }
0x34: {  	_ =	swait.ge [sflag:s17], $0x4000  }
0x35: {  	[sflag:s17] =	ssyncset.done $0x0  }
0x36: {  	[sflag:s17] =	ssyncadd.s32 $0xFFFFC000  }
0x37: {  	s30 =	simm.s32 $0x0;
	[bflag:$0x0] =	sbarrier.arrive $0xFFFF  }
0x38: {  	[tilespmem:s30], [sflag:$0x3] =	stream.linear.gather [hbm4b:s12+s30], $0x1400, $0x38;
	[tilespmem:$0x1E800] =	vst v63  }
0x39: {  	_ =	swait.ge [sflag:s17], $0x1400  }
0x3a: {  	[sflag:s17] =	ssyncset.done $0x0  }
0x3b: {  	[sflag:s17] =	ssyncadd.s32 $0xFFFFEC00  }
0x3c: {  	[tilespmem:s18], [sflag:$0x3] =	stream.linear.gather [hbm4b:s13+s30], $0x1400, $0x38;
	[tilespmem:$0x1E800] =	vst v63  }
0x3d: {  	_ =	swait.ge [sflag:s17], $0x1400  }
0x3e: {  	[sflag:s17] =	ssyncset.done $0x0  }
0x3f: {  	[sflag:s17] =	ssyncadd.s32 $0xFFFFEC00  }
0x40: {  	[tilespmem:s16], [sflag:$0x1] =	stream.indirect.gather [hbm4b:s0+s19], $0x80, s30, s19, $0xb8;
	[tilespmem:$0x1E800] =	vst v63  }
0x41: {  	s31 =	simm.s32 $0x80  }
0x42: {  	[tilespmem:s20], [sflag:$0x2] =	stream.indirect.gather [hbm4b:s0+s19], $0x80, s31, s19, $0xb8;
	[tilespmem:$0x1E800] =	vst v63  }
0x43: {  	_ =	swait.ge [sflag:s21], $0x4000  }
0x44: {  	[sflag:s21] =	ssyncset.done $0x0  }
0x45: {  	s29 =	simm.s32 $0x1400;
	[sflag:s21] =	ssyncadd.s32 $0xFFFFC000  }
0x46: {  	[spmem:s3] =	stream.indirect.scatter.add.f32 [tilespmem:s16], [sflag:$0x3], $0x80, s29, s19, $0xb8;
	[tilespmem:$0x1E800] =	vst v63  }
0x47: {  	_ =	swait.ge [sflag:s17], $0x4000  }
0x48: {  	[sflag:s17] =	ssyncset.done $0x0  }
0x49: {  	s30 =	simm.s32 $0x100;
	[sflag:s17] =	ssyncadd.s32 $0xFFFFC000  }
0x4a: {  	[tilespmem:s16], [sflag:$0x1] =	stream.indirect.gather [hbm4b:s0+s19], $0x80, s30, s19, $0xb8;
	[tilespmem:$0x1E800] =	vst v63  }
0x4b: {  	_ =	swait.ge [sflag:s22], $0x4000  }
0x4c: {  	[sflag:s22] =	ssyncset.done $0x0  }
0x4d: {  	s31 =	simm.s32 $0x1480;
	[sflag:s22] =	ssyncadd.s32 $0xFFFFC000  }
0x4e: {  	[spmem:s3] =	stream.indirect.scatter.add.f32 [tilespmem:s20], [sflag:$0x3], $0x80, s31, s19, $0xb8;
	[tilespmem:$0x1E800] =	vst v63  }
0x4f: {  	_ =	swait.ge [sflag:s17], $0x4000  }
0x50: {  	s28 =	simm.s32 $0x800;
	s26 =	simm.s32 $0x100;
	[sflag:s17] =	ssyncset.done $0x0  }
.LBB2_4:
0x51: {  	s29 =	sadd.s32 $0x80, s26  }
0x52: {  	[sflag:s17] =	ssyncadd.s32 $0xFFFFC000;
	s30 =	smov.u32 s28;
	s31 =	sadd.s32 $0x400, s28  }
0x53: {  	[tilespmem:s20], [sflag:$0x2] =	stream.indirect.gather [hbm4b:s0+s19], $0x80, s29, s19, $0xb8;
	[tilespmem:$0x1E800] =	vst v63  }
0x54: {  	p0 =	sne.s32 s28, $0x4800;
	_ =	swait.ge [sflag:s21], $0x4000  }
0x55: {  	[sflag:s21] =	ssyncset.done $0x0  }
0x56: {  	s28 =	sadd.s32 $0x1400, s26;
	[sflag:s21] =	ssyncadd.s32 $0xFFFFC000  }
0x57: {  	[spmem:s3] =	stream.indirect.scatter.add.f32 [tilespmem:s16], [sflag:$0x3], $0x80, s28, s19, $0xb8;
	[tilespmem:$0x1E800] =	vst v63  }
0x58: {  	_ =	swait.ge [sflag:s17], $0x4000  }
0x59: {  	[sflag:s17] =	ssyncset.done $0x0  }
0x5a: {  	s28 =	sadd.s32 $0x100, s26;
	[sflag:s17] =	ssyncadd.s32 $0xFFFFC000  }
0x5b: {  	[tilespmem:s16], [sflag:$0x1] =	stream.indirect.gather [hbm4b:s0+s19], $0x80, s28, s19, $0xb8;
	[tilespmem:$0x1E800] =	vst v63  }
0x5c: {  	_ =	swait.ge [sflag:s22], $0x4000  }
.Ltmp1:
0x5d: {  	[sflag:s22] =	ssyncset.done $0x0;
	(pc) =	sbr.rel @p0 .LBB2_4-.Ltmp1, $4  }
0x5e: {  	s26 =	sadd.s32 $0x1480, s26;
	[sflag:s22] =	ssyncadd.s32 $0xFFFFC000  }
0x5f: {  	[spmem:s3] =	stream.indirect.scatter.add.f32 [tilespmem:s20], [sflag:$0x3], $0x80, s26, s19, $0xb8;
	[tilespmem:$0x1E800] =	vst v63  }
0x60: {  	_ =	swait.ge [sflag:s17], $0x4000  }
0x61: {  	s28 =	smov.u32 s31;
	s26 =	sshra.s32 s30, $0x2;
	[sflag:s17] =	ssyncset.done $0x0  }
0x62: {  	s28 =	sadd.s32 $0x80, s26;
	[sflag:s17] =	ssyncadd.s32 $0xFFFFC000  }
0x63: {  	[tilespmem:s20], [sflag:$0x2] =	stream.indirect.gather [hbm4b:s0+s19], $0x80, s28, s19, $0xb8;
	[tilespmem:$0x1E800] =	vst v63  }
0x64: {  	_ =	swait.ge [sflag:s21], $0x4000  }
0x65: {  	[sflag:s21] =	ssyncset.done $0x0  }
0x66: {  	s28 =	sadd.s32 $0x1400, s26;
	[sflag:s21] =	ssyncadd.s32 $0xFFFFC000  }
0x67: {  	[spmem:s3] =	stream.indirect.scatter.add.f32 [tilespmem:s16], [sflag:$0x3], $0x80, s28, s19, $0xb8;
	[tilespmem:$0x1E800] =	vst v63  }
0x68: {  	_ =	swait.ge [sflag:s17], $0x4000  }
0x69: {  	[sflag:s17] =	ssyncset.done $0x0  }
0x6a: {  	s28 =	sadd.s32 $0x100, s26;
	[sflag:s17] =	ssyncadd.s32 $0xFFFFC000  }
0x6b: {  	[tilespmem:s16], [sflag:$0x1] =	stream.indirect.gather [hbm4b:s0+s19], $0x80, s28, s19, $0xb8;
	[tilespmem:$0x1E800] =	vst v63  }
0x6c: {  	_ =	swait.ge [sflag:s22], $0x4000  }
0x6d: {  	[sflag:s22] =	ssyncset.done $0x0  }
0x6e: {  	s29 =	sadd.s32 $0x1480, s26;
	[sflag:s22] =	ssyncadd.s32 $0xFFFFC000  }
0x6f: {  	[spmem:s3] =	stream.indirect.scatter.add.f32 [tilespmem:s20], [sflag:$0x3], $0x80, s29, s19, $0xb8;
	[tilespmem:$0x1E800] =	vst v63  }
0x70: {  	_ =	swait.ge [sflag:s17], $0x4000  }
0x71: {  	[sflag:s17] =	ssyncset.done $0x0  }
0x72: {  	[sflag:s17] =	ssyncadd.s32 $0xFFFFC000  }
0x73: {  	[tilespmem:s20], [sflag:$0x2] =	stream.indirect.gather [hbm4b:s0+s19], $0x80, s23, s19, $0xb8;
	[tilespmem:$0x1E800] =	vst v63  }
0x74: {  	_ =	swait.ge [sflag:s21], $0x4000  }
0x75: {  	[sflag:s21] =	ssyncset.done $0x0  }
0x76: {  	[sflag:s21] =	ssyncadd.s32 $0xFFFFC000  }
0x77: {  	[spmem:s3] =	stream.indirect.scatter.add.f32 [tilespmem:s16], [sflag:$0x3], $0x80, s24, s19, $0xb8;
	[tilespmem:$0x1E800] =	vst v63  }
0x78: {  	_ =	swait.ge [sflag:s17], $0x4000  }
0x79: {  	[sflag:s17] =	ssyncset.done $0x0  }
0x7a: {  	[sflag:s17] =	ssyncadd.s32 $0xFFFFC000  }
0x7b: {  	_ =	swait.ge [sflag:s22], $0x4000  }
0x7c: {  	[sflag:s22] =	ssyncset.done $0x0  }
0x7d: {  	[sflag:s22] =	ssyncadd.s32 $0xFFFFC000  }
0x7e: {  	[spmem:s3] =	stream.indirect.scatter.add.f32 [tilespmem:s20], [sflag:$0x3], $0x80, s25, s19, $0xb8;
	[tilespmem:$0x1E800] =	vst v63  }
0x7f: {  	_ =	swait.ge [sflag:s17], $0x4000  }
0x80: {  	[sflag:s17] =	ssyncset.done $0x0  }
0x81: {  	s30 =	simm.s32 $0x0;
	[sflag:s17] =	ssyncadd.s32 $0xFFFFC000  }
0x82: {  	[tilespmem:s30], [sflag:$0x3] =	stream.linear.gather [hbm4b:s14+s30], $0x1400, $0x38;
	[tilespmem:$0x1E800] =	vst v63  }
0x83: {  	_ =	swait.ge [sflag:s17], $0x1400  }
0x84: {  	[sflag:s17] =	ssyncset.done $0x0  }
0x85: {  	[sflag:s17] =	ssyncadd.s32 $0xFFFFEC00  }
0x86: {  	[tilespmem:s18], [sflag:$0x3] =	stream.linear.gather [hbm4b:s15+s30], $0x1400, $0x38;
	[tilespmem:$0x1E800] =	vst v63  }
0x87: {  	_ =	swait.ge [sflag:s17], $0x1400  }
0x88: {  	[sflag:s17] =	ssyncset.done $0x0  }
0x89: {  	[sflag:s17] =	ssyncadd.s32 $0xFFFFEC00  }
0x8a: {  	[tilespmem:s16], [sflag:$0x1] =	stream.indirect.gather [hbm4b:s0+s19], $0x80, s30, s19, $0xb8;
	[tilespmem:$0x1E800] =	vst v63  }
0x8b: {  	s31 =	simm.s32 $0x80  }
0x8c: {  	[tilespmem:s20], [sflag:$0x2] =	stream.indirect.gather [hbm4b:s0+s19], $0x80, s31, s19, $0xb8;
	[tilespmem:$0x1E800] =	vst v63  }
0x8d: {  	_ =	swait.ge [sflag:s21], $0x4000  }
0x8e: {  	[sflag:s21] =	ssyncset.done $0x0  }
0x8f: {  	s29 =	simm.s32 $0x1400;
	[sflag:s21] =	ssyncadd.s32 $0xFFFFC000  }
0x90: {  	[spmem:s3] =	stream.indirect.scatter.add.f32 [tilespmem:s16], [sflag:$0x3], $0x80, s29, s19, $0xb8;
	[tilespmem:$0x1E800] =	vst v63  }
0x91: {  	_ =	swait.ge [sflag:s17], $0x4000  }
0x92: {  	[sflag:s17] =	ssyncset.done $0x0  }
0x93: {  	s30 =	simm.s32 $0x100;
	[sflag:s17] =	ssyncadd.s32 $0xFFFFC000  }
0x94: {  	[tilespmem:s16], [sflag:$0x1] =	stream.indirect.gather [hbm4b:s0+s19], $0x80, s30, s19, $0xb8;
	[tilespmem:$0x1E800] =	vst v63  }
0x95: {  	_ =	swait.ge [sflag:s22], $0x4000  }
0x96: {  	[sflag:s22] =	ssyncset.done $0x0  }
0x97: {  	s31 =	simm.s32 $0x1480;
	[sflag:s22] =	ssyncadd.s32 $0xFFFFC000  }
0x98: {  	[spmem:s3] =	stream.indirect.scatter.add.f32 [tilespmem:s20], [sflag:$0x3], $0x80, s31, s19, $0xb8;
	[tilespmem:$0x1E800] =	vst v63  }
0x99: {  	_ =	swait.ge [sflag:s17], $0x4000  }
0x9a: {  	s26 =	simm.s32 $0x100;
	s28 =	simm.s32 $0x800;
	[sflag:s17] =	ssyncset.done $0x0  }
.LBB2_6:
0x9b: {  	s29 =	sadd.s32 $0x80, s26  }
0x9c: {  	[sflag:s17] =	ssyncadd.s32 $0xFFFFC000;
	s30 =	smov.u32 s28;
	s31 =	sadd.s32 $0x400, s28  }
0x9d: {  	[tilespmem:s20], [sflag:$0x2] =	stream.indirect.gather [hbm4b:s0+s19], $0x80, s29, s19, $0xb8;
	[tilespmem:$0x1E800] =	vst v63  }
0x9e: {  	p0 =	sne.s32 s28, $0x4800;
	_ =	swait.ge [sflag:s21], $0x4000  }
0x9f: {  	[sflag:s21] =	ssyncset.done $0x0  }
0xa0: {  	s28 =	sadd.s32 $0x1400, s26;
	[sflag:s21] =	ssyncadd.s32 $0xFFFFC000  }
0xa1: {  	[spmem:s3] =	stream.indirect.scatter.add.f32 [tilespmem:s16], [sflag:$0x3], $0x80, s28, s19, $0xb8;
	[tilespmem:$0x1E800] =	vst v63  }
0xa2: {  	_ =	swait.ge [sflag:s17], $0x4000  }
0xa3: {  	[sflag:s17] =	ssyncset.done $0x0  }
0xa4: {  	s28 =	sadd.s32 $0x100, s26;
	[sflag:s17] =	ssyncadd.s32 $0xFFFFC000  }
0xa5: {  	[tilespmem:s16], [sflag:$0x1] =	stream.indirect.gather [hbm4b:s0+s19], $0x80, s28, s19, $0xb8;
	[tilespmem:$0x1E800] =	vst v63  }
0xa6: {  	_ =	swait.ge [sflag:s22], $0x4000  }
.Ltmp2:
0xa7: {  	[sflag:s22] =	ssyncset.done $0x0;
	(pc) =	sbr.rel @p0 .LBB2_6-.Ltmp2, $4  }
0xa8: {  	s26 =	sadd.s32 $0x1480, s26;
	[sflag:s22] =	ssyncadd.s32 $0xFFFFC000  }
0xa9: {  	[spmem:s3] =	stream.indirect.scatter.add.f32 [tilespmem:s20], [sflag:$0x3], $0x80, s26, s19, $0xb8;
	[tilespmem:$0x1E800] =	vst v63  }
0xaa: {  	_ =	swait.ge [sflag:s17], $0x4000  }
0xab: {  	s28 =	smov.u32 s31;
	s26 =	sshra.s32 s30, $0x2;
	[sflag:s17] =	ssyncset.done $0x0  }
0xac: {  	s28 =	sadd.s32 $0x80, s26;
	[sflag:s17] =	ssyncadd.s32 $0xFFFFC000  }
0xad: {  	[tilespmem:s20], [sflag:$0x2] =	stream.indirect.gather [hbm4b:s0+s19], $0x80, s28, s19, $0xb8;
	[tilespmem:$0x1E800] =	vst v63  }
0xae: {  	_ =	swait.ge [sflag:s21], $0x4000  }
0xaf: {  	[sflag:s21] =	ssyncset.done $0x0  }
0xb0: {  	s30 =	sadd.s32 $0x1400, s26;
	[sflag:s21] =	ssyncadd.s32 $0xFFFFC000  }
0xb1: {  	[spmem:s3] =	stream.indirect.scatter.add.f32 [tilespmem:s16], [sflag:$0x3], $0x80, s30, s19, $0xb8;
	[tilespmem:$0x1E800] =	vst v63  }
0xb2: {  	_ =	swait.ge [sflag:s17], $0x4000  }
0xb3: {  	[sflag:s17] =	ssyncset.done $0x0  }
0xb4: {  	s31 =	sadd.s32 $0x100, s26;
	[sflag:s17] =	ssyncadd.s32 $0xFFFFC000  }
0xb5: {  	[tilespmem:s16], [sflag:$0x1] =	stream.indirect.gather [hbm4b:s0+s19], $0x80, s31, s19, $0xb8;
	[tilespmem:$0x1E800] =	vst v63  }
0xb6: {  	_ =	swait.ge [sflag:s22], $0x4000  }
0xb7: {  	[sflag:s22] =	ssyncset.done $0x0  }
0xb8: {  	s29 =	sadd.s32 $0x1480, s26;
	[sflag:s22] =	ssyncadd.s32 $0xFFFFC000  }
0xb9: {  	[spmem:s3] =	stream.indirect.scatter.add.f32 [tilespmem:s20], [sflag:$0x3], $0x80, s29, s19, $0xb8;
	[tilespmem:$0x1E800] =	vst v63  }
0xba: {  	_ =	swait.ge [sflag:s17], $0x4000  }
0xbb: {  	[sflag:s17] =	ssyncset.done $0x0  }
0xbc: {  	[sflag:s17] =	ssyncadd.s32 $0xFFFFC000  }
0xbd: {  	[tilespmem:s20], [sflag:$0x2] =	stream.indirect.gather [hbm4b:s0+s19], $0x80, s23, s19, $0xb8;
	[tilespmem:$0x1E800] =	vst v63  }
0xbe: {  	_ =	swait.ge [sflag:s21], $0x4000  }
0xbf: {  	[sflag:s21] =	ssyncset.done $0x0  }
0xc0: {  	[sflag:s21] =	ssyncadd.s32 $0xFFFFC000  }
0xc1: {  	[spmem:s3] =	stream.indirect.scatter.add.f32 [tilespmem:s16], [sflag:$0x3], $0x80, s24, s19, $0xb8;
	[tilespmem:$0x1E800] =	vst v63  }
0xc2: {  	_ =	swait.ge [sflag:s17], $0x4000  }
0xc3: {  	[sflag:s17] =	ssyncset.done $0x0  }
0xc4: {  	[sflag:s17] =	ssyncadd.s32 $0xFFFFC000  }
0xc5: {  	_ =	swait.ge [sflag:s22], $0x4000  }
0xc6: {  	[sflag:s22] =	ssyncset.done $0x0  }
0xc7: {  	[sflag:s22] =	ssyncadd.s32 $0xFFFFC000  }
0xc8: {  	[spmem:s3] =	stream.indirect.scatter.add.f32 [tilespmem:s20], [sflag:$0x3], $0x80, s25, s19, $0xb8;
	[tilespmem:$0x1E800] =	vst v63  }
0xc9: {  	_ =	swait.ge [sflag:s17], $0x4000  }
0xca: {  	s4 =	sadd.s32 $0x1, s4;
	s30 =	sshll.u32 s2, $0x6;
	[sflag:s17] =	ssyncset.done $0x0  }
0xcb: {  	p0 =	sne.s32 s4, s11;
	s26 =	sor.u32 $0x1C03, s30;
	[sflag:s17] =	ssyncadd.s32 $0xFFFFC000  }
.Ltmp3:
0xcc: {  	s31 =	sshrl.u32 s5, $0x3;
	[bflag:$0x0] =	sbarrier.arrive $0xFFFF;
	(pc) =	sbr.rel @p0 .LBB2_1-.Ltmp3, $4  }
0xcd: {  	[hbm:s10], [sflag:s26] =	dma.local [spmem:s31], $0x2800  }
0xce: {  	_ =	swait.ge [sflag:s17], $0x2800  }
0xcf: {  	[sflag:s17] =	ssyncset.done $0x0  }
0xd0: {  	[sflag:s17] =	ssyncadd.s32 $0xFFFFD800  }
0xd1: {  	_ =	sfence.sel $0x180000  }
0xd2: {  	[bflag:$0x0] =	sbarrier.arrive $0xFFFF  }
0xd3: {  	p0 =	sne.s32 s2, $0x0;
	_ =	strace $0x9000004D  }
0xd4: {  	s0 =	sadd.s32 @!p0 $0x100000, s1;
	[bflag:$0x2] =	sbarrier.arrive $0xFFFF  }
0xd5: {  	[sflag:s0] =	ssyncadd.tile.s32 @!p0 $0x1;
	_ =	shalt  }
.Lfunc_end2:
_tile_overlayer_lowered:
.L_overlay_start_2:
0xd6: {  	(tag) =	ssettag $0x2  }
0xd7: {  	s0 =	rddreg [dreg:$0x0];
	s2 =	stileid.u32  }
0xd8: {  	s1 =	rddreg [dreg:$0x1];
	p0 =	sne.s32 s2, $0x0  }
0xd9: {  	s3 =	rddreg [dreg:$0x2];
	[bflag:$0x3] =	sbarrier.arrive $0xFFFF;
	s2 =	simm.s32 @!p0 $0x1C03  }
0xda: {  	[timem:s3], [sflag:s2] =	dma.local @!p0 [hbm:s0], s1  }
0xdb: {  	s0 =	simm.s32 @!p0 $0x3  }
0xdc: {  	_ =	swait.ge @!p0 [sflag:s0], s1  }
0xdd: {  	s1 =	ssub.s32 @!p0 $0x0, s1;
	[sflag:s0] =	ssyncset.done @!p0 $0x0  }
0xde: {  	[sflag:s0] =	ssyncadd.s32 @!p0 s1  }
0xdf: {  	[bflag:$0x3] =	sbarrier.arrive $0xFFFF  }
0xe0: {  	_ =	shalt  }

// kernel: sage_counts_sc.3.cloned.1.call-start
scs
__scs_entry_jumppad:
0x0: {  	(pc) =	sbr.rel $0x88, $3  }
0x1: {  	(tag) =	ssettag $0x0;
	lr =	simm.s32 $0x1  }
0x2: {  	[smem:$0x3F95] =	sst lr;
	_ =	strace $0xD0000000  }
0x3: {  	_ = 	snop  }
0x4: {  	_ = 	snop  }
0x5: {  	_ = 	snop  }
0x6: {  	_ = 	snop  }
0x7: {  	_ = 	snop  }
__scs_overlays_trampoline_lowered:
0x8: {  	[smem:$0x3FA4] =	sst s0  }
0x9: {  	[smem:$0x3FA5] =	sst s1  }
0xa: {  	[smem:$0x3FA6] =	sst s2  }
0xb: {  	[smem:$0x3FA7] =	sst s3  }
0xc: {  	[smem:$0x3FA8] =	sst s4  }
0xd: {  	[smem:$0x3FA9] =	sst s5  }
0xe: {  	[smem:$0x3FAA] =	sst s6  }
0xf: {  	[smem:$0x3FAB] =	sst s7  }
0x10: {  	[smem:$0x3FAC] =	sst s8  }
0x11: {  	[smem:$0x3FAD] =	sst s9;
	s0 =	simm.s32 @!p0 $0x0  }
0x12: {  	s1 =	sld [smem:$0x3F93];
	s0 =	simm.s32 @p0 $0x1  }
0x13: {  	[smem:$0x3FAE] =	sst s0;
	s0 =	simm.s32 @!p1 $0x0  }
0x14: {  	s2 =	sld [smem:$0x3F92];
	s0 =	simm.s32 @p1 $0x1  }
0x15: {  	[smem:$0x3FAF] =	sst s0;
	s0 =	simm.s32 @!p2 $0x0  }
0x16: {  	s3 =	sld [smem:$0x3FDB];
	s0 =	simm.s32 @p2 $0x1  }
0x17: {  	s4 =	simm.s32 $0x1BF5;
	[smem:$0x3FB1] =	sst s0  }
0x18: {  	s0 =	sld [smem:$0x3F94];
	_ =	swait.ge [sflag:s4], $0x0  }
0x19: {  	s7 =	sld [smem:$0x3F95]  }
0x1a: {  	s8 =	sadd.s32 $0xFFFFE003, lr  }
0x1b: {  	s9 =	sadd.s32 $0xFFFFFEF7, lr;
	s5 =	simm.s32 $0xFFFFFFFF;
	p2 =	slt.u32 s8, $0xFFFFF086  }
0x1c: {  	p1 =	slt.u32 s9, $0xF7A;
	s5 =	simm.s32 @!p2 $0x0  }
0x1d: {  	s5 =	simm.s32 @p1 $0x1;
	p0 =	seq.s32 s7, s2  }
0x1e: {  	s7 =	smul.u32 @!p0 $0xF7A, s2;
	p2 =	seq.s32 @!p0 s5, $0x0  }
0x1f: {  	s9 =	smul.u32 $0xF7A, s1;
	s8 =	simm.s32 @!p0 $0x1BF5;
	p2 =	por !p2, p0  }
0x20: {  	[sflag:s8] =	ssyncset.s32 @!p0 $0xFFFFF086;
	s6 =	sadd.s32 @!p0 s3, s7;
	s7 =	simm.s32 @!p0 $0x108  }
0x21: {  	s3 =	sadd.s32 s3, s9;
	s6 =	sadd.s32 @!p0 $0x88, s6;
	s7 =	simm.s32 @p2 $0x1082  }
0x22: {  	[simem:s7], [sflag:s8] =	dma.local @!p0 [hbm:s6], $0xF7A  }
0x23: {  	s9 =	sor.u32 $0xD0000000, s2;
	s6 =	simm.s32 $0x108;
	_ =	swait.ge @!p0 [sflag:s8], $0x0  }
0x24: {  	s3 =	sadd.s32 $0x88, s3;
	s6 =	simm.s32 @!p1 $0x1082;
	[sflag:s4] =	ssyncset.s32 $0xFFFFF086  }
0x25: {  	[simem:s6], [sflag:s4] =	dma.local [hbm:s3], $0xF7A  }
0x26: {  	[smem:$0x3F95] =	sst s1;
	(tag) =	ssettag s2;
	_ =	strace s9  }
0x27: {  	s1 =	sld [smem:$0x3FA5]  }
0x28: {  	s2 =	sld [smem:$0x3FA6]  }
0x29: {  	s4 =	sld [smem:$0x3FA8]  }
0x2a: {  	p0 =	seq.s32 s5, $0x0;
	s5 =	sld [smem:$0x3FA9]  }
0x2b: {  	s6 =	sld [smem:$0x3FAA]  }
0x2c: {  	s7 =	sld [smem:$0x3FAB]  }
0x2d: {  	s3 =	simm.s32 $0x108;
	s8 =	sld [smem:$0x3FAC]  }
0x2e: {  	s3 =	simm.s32 @!p0 $0x1082;
	s9 =	sld [smem:$0x3FAD]  }
0x2f: {  	lr =	sadd.s32 s0, s3;
	s0 =	sld [smem:$0x3FA4]  }
0x30: {  	s3 =	sld [smem:$0x3FA7]  }
0x31: {  	[smem:$0x3FB0] =	sst s10  }
0x32: {  	s10 =	sld [smem:$0x3FAE];
	_ =	sdelay $0x3  }
0x33: {  	p0 =	seq.s32 s10, $0x1;
	s10 =	sld [smem:$0x3FB0];
	_ =	sdelay $0x3  }
0x34: {  	[smem:$0x3FB0] =	sst s10  }
0x35: {  	s10 =	sld [smem:$0x3FAF];
	_ =	sdelay $0x3  }
0x36: {  	p1 =	seq.s32 s10, $0x1;
	s10 =	sld [smem:$0x3FB0];
	_ =	sdelay $0x3  }
0x37: {  	[smem:$0x3FB0] =	sst s10  }
0x38: {  	s10 =	sld [smem:$0x3FB1]  }
0x39: {  	_ = 	snop;
	(pc) =	sbr.ind lr, $3  }
0x3a: {  	_ = 	snop  }
0x3b: {  	_ = 	snop  }
0x3c: {  	p2 =	seq.s32 s10, $0x1;
	s10 =	sld [smem:$0x3FB0]  }
0x3d: {  	_ =	shalt  }
0x3e: {  	_ =	shalt  }
0x3f: {  	_ =	shalt  }
0x40: {  	_ =	shalt  }
0x41: {  	_ =	shalt  }
0x42: {  	_ =	shalt  }
0x43: {  	_ =	shalt  }
0x44: {  	_ =	shalt  }
0x45: {  	_ =	shalt  }
0x46: {  	_ =	shalt  }
0x47: {  	_ =	shalt  }
0x48: {  	_ =	shalt  }
0x49: {  	_ =	shalt  }
0x4a: {  	_ =	shalt  }
0x4b: {  	_ =	shalt  }
0x4c: {  	_ =	shalt  }
0x4d: {  	_ =	shalt  }
0x4e: {  	_ =	shalt  }
0x4f: {  	_ =	shalt  }
0x50: {  	_ =	shalt  }
0x51: {  	_ =	shalt  }
0x52: {  	_ =	shalt  }
0x53: {  	_ =	shalt  }
0x54: {  	_ =	shalt  }
0x55: {  	_ =	shalt  }
0x56: {  	_ =	shalt  }
0x57: {  	_ =	shalt  }
0x58: {  	_ =	shalt  }
0x59: {  	_ =	shalt  }
0x5a: {  	_ =	shalt  }
0x5b: {  	_ =	shalt  }
0x5c: {  	_ =	shalt  }
0x5d: {  	_ =	shalt  }
0x5e: {  	_ =	shalt  }
0x5f: {  	_ =	shalt  }
0x60: {  	_ =	shalt  }
0x61: {  	_ =	shalt  }
0x62: {  	_ =	shalt  }
0x63: {  	_ =	shalt  }
0x64: {  	_ =	shalt  }
0x65: {  	_ =	shalt  }
0x66: {  	_ =	shalt  }
0x67: {  	_ =	shalt  }
0x68: {  	_ =	shalt  }
0x69: {  	_ =	shalt  }
0x6a: {  	_ =	shalt  }
0x6b: {  	_ =	shalt  }
0x6c: {  	_ =	shalt  }
0x6d: {  	_ =	shalt  }
0x6e: {  	_ =	shalt  }
0x6f: {  	_ =	shalt  }
0x70: {  	_ =	shalt  }
0x71: {  	_ =	shalt  }
0x72: {  	_ =	shalt  }
0x73: {  	_ =	shalt  }
0x74: {  	_ =	shalt  }
0x75: {  	_ =	shalt  }
0x76: {  	_ =	shalt  }
0x77: {  	_ =	shalt  }
0x78: {  	_ =	shalt  }
0x79: {  	_ =	shalt  }
0x7a: {  	_ =	shalt  }
0x7b: {  	_ =	shalt  }
0x7c: {  	_ =	shalt  }
0x7d: {  	_ =	shalt  }
0x7e: {  	_ =	shalt  }
0x7f: {  	_ =	shalt  }
0x80: {  	_ =	shalt  }
0x81: {  	_ =	shalt  }
0x82: {  	_ =	shalt  }
0x83: {  	_ =	shalt  }
0x84: {  	_ =	shalt  }
0x85: {  	_ =	shalt  }
0x86: {  	_ =	shalt  }
0x87: {  	_ =	shalt  }
.Lfunc_end0:
.L_simem_size_0:
called_computation_lowered:
.L_overlay_start_0:
0x88: {  	s2 =	sld [smem:$0x3FD9]  }
0x89: {  	s3 =	sld [smem:$0x3FFE];
	_ =	sdelay $0x1  }
0x8a: {  	s1 =	srdreg.scid  }
0x8b: {  	s0 =	sand.u32 $0x1, s1  }
0x8c: {  	s17 =	sshll.u32 s0, $0xA;
	s2 =	sadd.s32 s3, s2  }
0x8d: {  	s2 =	sadd.s32 s2, s17  }
0x8e: {  	[smem:$0x3FBC] =	sst s2  }
0x8f: {  	_ = 	snop  }
0x90: {  	s18 =	sld [smem:$0x3FD0];
	(tm) =	ssettm $0x1  }
0x91: {  	s19 =	sld [smem:$0x3FFB];
	_ =	sdelay $0x3  }
0x92: {  	_ =	strace s19  }
0x93: {  	s2 =	sld [smem:$0x3FFC];
	_ =	sdelay $0x3  }
0x94: {  	_ =	strace s2  }
0x95: {  	s2 =	sld [smem:$0x3FFD];
	_ =	sdelay $0x3  }
0x96: {  	_ =	strace s2  }
0x97: {  	_ =	strace $0x8FFFFFFF  }
0x98: {  	s20 =	sld [smem:$0x3FDB];
	_ =	sdelay $0x1  }
0x99: {  	s4 =	simm.s32 $_scs_section_size  }
0x9a: {  	s5 =	simm.s32 $_size__tile_overlayer_lowered;
	s6 =	simm.s32 $_tile_overlayer_lowered  }
0x9b: {  	s7 =	simm.s32 $0x1BFF;
	s21 =	sshll.u32 s6, $0x1;
	s4 =	sadd.s32 s4, s20  }
0x9c: {  	s22 =	simm.s32 $0x0;
	s5 =	sshll.u32 s5, $0x1;
	s6 =	sadd.s32 s21, s4  }
0x9d: {  	[timem:s22], [sflag:s7] =	dma.local [hbm:s6], s5  }
0x9e: {  	_ =	swait.ge [sflag:s7], s5  }
0x9f: {  	s5 =	ssub.s32 $0x0, s5;
	[sflag:s7] =	ssyncset.done $0x0  }
0xa0: {  	[sflag:s7] =	ssyncadd.s32 s5;
	_ =	sdelay $0x1  }
0xa1: {  	s23 =	simm.s32 $0x1B8B  }
0xa2: {  	_ =	swait.ge [sflag:s23], $0x1  }
0xa3: {  	[sflag:s23] =	ssyncset.done $0x0  }
0xa4: {  	[sflag:s23] =	ssyncadd.s32 $0xFFFFFFFF  }
0xa5: {  	s5 =	sld [smem:$0x0]  }
0xa6: {  	s6 =	sand.u32 $0xFFFFFFFE, s1  }
0xa7: {  	p0 =	sne.s32 s1, s6  }
0xa8: {  	s6 =	sshll.u32 @p0 s6, $0xE  }
0xa9: {  	s6 =	sadd.s32 @p0 $0x11B8D, s6;
	s7 =	sshll.u32 @p0 s5, $0x11  }
0xaa: {  	s6 =	sor.u32 @p0 s7, s6  }
0xab: {  	[sflag:s6] =	ssyncadd.remote.s32 @p0 $0x1;
	_ =	sdelay $0x1  }
0xac: {  	s6 =	simm.s32 @p0 $0x1B8D  }
0xad: {  	_ =	swait.eq @p0 [sflag:s6], $0x1  }
0xae: {  	[sflag:s6] =	ssyncadd.s32 @p0 $0xFFFFFFFF  }
0xaf: {  	s7 =	sshll.u32 @!p0 s1, $0xE  }
0xb0: {  	s7 =	sor.u32 @!p0 $0x4000, s7;
	s6 =	simm.s32 @!p0 $0x1B8D  }
0xb1: {  	s5 =	sshll.u32 @!p0 s5, $0x11;
	s7 =	sadd.s32 @!p0 $0x11B8D, s7;
	_ =	swait.eq @!p0 [sflag:s6], $0x1  }
0xb2: {  	s5 =	sor.u32 @!p0 s5, s7;
	[sflag:s6] =	ssyncadd.s32 @!p0 $0xFFFFFFFF  }
0xb3: {  	s25 =	simm.s32 $0x1B8E;
	s24 =	sld [smem:$0x3FFE];
	[sflag:s5] =	ssyncadd.remote.s32 @!p0 $0x1  }
0xb4: {  	s26 =	simm.s32 $execute0_lowered;
	[smem:$0x3FD2] =	sst s25  }
0xb5: {  	s6 =	sshll.u32 s26, $0x1;
	_ =	strace $0x80000049;
	[dreg:$0x1] =	wrdreg $0xFFFFFFFF  }
0xb6: {  	s28 =	simm.s32 $_size_execute0_lowered;
	s4 =	sadd.s32 s4, s6;
	[dreg:$0x0] =	wrdreg $0x0  }
0xb7: {  	s6 =	sshll.u32 s28, $0x1;
	[dreg:$0x2] =	wrdreg s4  }
0xb8: {  	[dreg:$0x3] =	wrdreg s6  }
0xb9: {  	[dreg:$0x4] =	wrdreg $0xC0  }
0xba: {  	_ =	task [dreg:s22], $0x5FFFF  }
0xbb: {  	[dreg:$0x1] =	wrdreg $0xFFFFFFFF  }
0xbc: {  	[dreg:$0x0] =	wrdreg $0x60  }
0xbd: {  	[dreg:$0x2] =	wrdreg s24  }
0xbe: {  	[dreg:$0x3] =	wrdreg s18  }
0xbf: {  	[dreg:$0x4] =	wrdreg $0x68000  }
0xc0: {  	[dreg:$0x5] =	wrdreg $0x9  }
0xc1: {  	_ =	task.clear_ibuf [dreg:s22], $0x6FFFF;
	_ =	strace $0x90000049  }
0xc2: {  	s29 =	simm.s32 $0x9;
	_ =	strace $0x8000004B  }
0xc3: {  	_ =	swait.ge [sflag:s29], $0x1  }
0xc4: {  	[sflag:s29] =	ssyncadd.s32 $0xFFFFFFFF  }
0xc5: {  	_ =	strace $0x9000004B  }
0xc6: {  	_ =	sfence  }
0xc7: {  	s30 =	sld [smem:$0x0];
	_ =	sdelay $0x2  }
0xc8: {  	s31 =	sshll.u32 s1, $0xD;
	s1 =	sshrl.u32 s1, $0x2  }
0xc9: {  	s4 =	sand.u32 $0x4000, s31;
	s1 =	sadd.s32 s1, s30  }
0xca: {  	s0 =	sor.u32 s4, s0;
	s1 =	sshll.u32 s1, $0x11  }
0xcb: {  	s0 =	sor.u32 s1, s0  }
0xcc: {  	s0 =	sadd.s32 $0x8F2B, s0  }
0xcd: {  	[sflag:s0] =	ssyncadd.remote.s32 $0x1  }
0xce: {  	_ =	sfence.sel $0xFFFF  }
0xcf: {  	[dreg:$0x0] =	wrdreg $0xFFFFFFFF;
	(pc) =	sbr.abs _section_cstart, $3  }
0xd0: {  	[dreg:$0x1] =	wrdreg $0xFFFFFFFF  }
0xd1: {  	_ =	task.clear_ibuf [dreg:s22], $0x2FFFF;
	_ =	strace $0x9FFFFFFF  }
0xd2: {  	(tm) =	ssettm $0x7FFFFFFF  }
0xd3: {  	_ =	shalt  }
tec
execute0_lowered:
.L_overlay_start_1:
0x0: {  	(tag) =	ssettag $0x1  }
0x1: {  	s7 =	rddreg [dreg:$0x0]  }
0x2: {  	s0 =	srdreg.scid;
	s2 =	rddreg [dreg:$0x1]  }
0x3: {  	s3 =	rddreg [dreg:$0x2];
	s4 =	simm.s32 $0x0;
	s6 =	sand.u32 $0x1, s0  }
0x4: {  	s13 =	simm.s32 $0x80;
	s0 =	stileid.u32;
	s8 =	smul.u32 $0x140000, s6  }
0x5: {  	s14 =	simm.s32 $0x0;
	[smem:$0x7FF] =	sst s4;
	s9 =	smul.u32 $0x14000, s0  }
0x6: {  	s1 =	sshll.u32 s6, $0x4;
	s30 =	smul.u32 $0x50000, s0;
	s6 =	ssub.s32 $0x2, s6  }
0x7: {  	s11 =	sshll.u32 s0, $0x6;
	s1 =	sor.u32 s0, s1;
	s31 =	sshrl.u32 s6, $0x1  }
0x8: {  	s11 =	sor.u32 $0x1C01, s11;
	s5 =	smul.u32 $0x500, s1;
	s1 =	rddreg [dreg:$0x3]  }
0x9: {  	_ =	strace $0x8000004A;
	s8 =	sadd.s32 s9, s8;
	s9 =	sshrl.u32 s30, $0x2  }
0xa: {  	s8 =	sshrl.u32 s8, $0x3;
	s12 =	sadd.s32 s9, s3;
	s9 =	simm.s32 $0x1  }
0xb: {  	s10 =	sadd.s32 s5, s7;
	s5 =	sadd.s32 $0x66E00, s7;
	s7 =	sadd.s32 s8, s7  }
0xc: {  	s8 =	ssub.s32 s6, s31;
	s12 =	sshrl.u32 s12, $0x3;
	s6 =	sadd.s32 $0xCE00, s10  }
0xd: {  	s7 =	sadd.s32 $0x67600, s7;
	s8 =	smax.u32 s8, $0x1;
	s10 =	simm.s32 $0x2800  }
.LBB2_1:
0xe: {  	[tilespmem:s4], [sflag:$0x1] =	stream.linear.gather [hbm4b:s6+s4], $0x2800, $0x38;
	[tilespmem:$0x1A800] =	vst v63  }
0xf: {  	_ =	swait.ge [sflag:s9], $0x2800  }
0x10: {  	[sflag:s9] =	ssyncset.done $0x0  }
0x11: {  	[sflag:s9] =	ssyncadd.s32 $0xFFFFD800  }
0x12: {  	[tilespmem:s10], [sflag:$0x1] =	stream.linear.gather [hbm4b:s5+s4], $0x4000, $0x38;
	[tilespmem:$0x1A800] =	vst v63  }
0x13: {  	_ =	swait.ge [sflag:s9], $0x4000  }
0x14: {  	[sflag:s9] =	ssyncset.done $0x0  }
0x15: {  	[sflag:s9] =	ssyncadd.s32 $0xFFFFC000  }
0x16: {  	[spmem:s12], [sflag:s11] =	dma.local [hbm:s2], $0x2800  }
0x17: {  	_ =	swait.ge [sflag:s9], $0x2800  }
0x18: {  	[sflag:s9] =	ssyncset.done $0x0  }
0x19: {  	[sflag:s9] =	ssyncadd.s32 $0xFFFFD800  }
0x1a: {  	s15 =	simm.s32 $0x0;
	[bflag:$0x0] =	sbarrier.arrive $0xFFFF  }
0x1b: {  	[spmem:s3] =	stream.indirect.scatter.add.f32 [tilespmem:s10], [sflag:$0x1], $0x80, s15, s13, $0xb8;
	[tilespmem:$0x1A800] =	vst v63  }
0x1c: {  	_ =	swait.ge [sflag:s9], $0x4000  }
0x1d: {  	s15 =	simm.s32 $0x200;
	[sflag:s9] =	ssyncset.done $0x0  }
.LBB2_2:
0x1e: {  	s16 =	sshra.s32 s15, $0x2;
	[sflag:s9] =	ssyncadd.s32 $0xFFFFC000;
	p0 =	sne.s32 s15, $0x9E00  }
0x1f: {  	[spmem:s3] =	stream.indirect.scatter.add.f32 [tilespmem:s10], [sflag:$0x1], $0x80, s16, s13, $0xb8;
	[tilespmem:$0x1A800] =	vst v63  }
.Ltmp0:
0x20: {  	_ = 	snop;
	(pc) =	sbr.rel @p0 .LBB2_2-.Ltmp0, $4  }
0x21: {  	_ = 	snop  }
0x22: {  	s15 =	sadd.s32 $0x200, s15  }
0x23: {  	_ =	swait.ge [sflag:s9], $0x4000  }
0x24: {  	[sflag:s9] =	ssyncset.done $0x0  }
0x25: {  	s14 =	sadd.s32 $0x1, s14  }
0x26: {  	[sflag:s9] =	ssyncadd.s32 $0xFFFFC000;
	p0 =	sne.s32 s14, s8  }
.Ltmp1:
0x27: {  	[bflag:$0x0] =	sbarrier.arrive $0xFFFF;
	(pc) =	sbr.rel @p0 .LBB2_1-.Ltmp1, $4  }
0x28: {  	[hbm:s7], [sflag:s11] =	dma.local [spmem:s12], $0x2800  }
0x29: {  	_ =	swait.ge [sflag:s9], $0x2800  }
0x2a: {  	[sflag:s9] =	ssyncset.done $0x0  }
0x2b: {  	[sflag:s9] =	ssyncadd.s32 $0xFFFFD800  }
0x2c: {  	_ =	sfence.sel $0x180000  }
0x2d: {  	[bflag:$0x0] =	sbarrier.arrive $0xFFFF  }
0x2e: {  	p0 =	sne.s32 s0, $0x0;
	_ =	strace $0x9000004A  }
0x2f: {  	s0 =	sadd.s32 @!p0 $0x100000, s1;
	[bflag:$0x2] =	sbarrier.arrive $0xFFFF  }
0x30: {  	[sflag:s0] =	ssyncadd.tile.s32 @!p0 $0x1;
	_ =	shalt  }
.Lfunc_end2:
_tile_overlayer_lowered:
.L_overlay_start_2:
0x31: {  	(tag) =	ssettag $0x2  }
0x32: {  	s0 =	rddreg [dreg:$0x0];
	s2 =	stileid.u32  }
0x33: {  	s1 =	rddreg [dreg:$0x1];
	p0 =	sne.s32 s2, $0x0  }
0x34: {  	s3 =	rddreg [dreg:$0x2];
	[bflag:$0x3] =	sbarrier.arrive $0xFFFF;
	s2 =	simm.s32 @!p0 $0x1C01  }
0x35: {  	[timem:s3], [sflag:s2] =	dma.local @!p0 [hbm:s0], s1  }
0x36: {  	s0 =	simm.s32 @!p0 $0x1  }
0x37: {  	_ =	swait.ge @!p0 [sflag:s0], s1  }
0x38: {  	s1 =	ssub.s32 @!p0 $0x0, s1;
	[sflag:s0] =	ssyncset.done @!p0 $0x0  }
0x39: {  	[sflag:s0] =	ssyncadd.s32 @!p0 s1  }
0x3a: {  	[bflag:$0x3] =	sbarrier.arrive $0xFFFF  }
0x3b: {  	_ =	shalt  }

</sc_bundles>
